<compile_context>
chip_gen: v7x
topology: tpu7x:2x2x1
jax: 0.10.2.dev20260603
libtpu: 0.0.44.dev20260713+nightly
codegen_flags: <defaults>
</compile_context>

<pallas_src>
import functools

import jax
import jax.numpy as jnp
from jax import lax
from jax.experimental import pallas as pl
from jax.experimental.pallas import tpu as pltpu
from jax.experimental.pallas import tpu_sc as plsc

ALPHA = 0.25


def _make_sc_gather(b, c):
    info = plsc.get_sparse_core_info()
    nc, ns, lanes = info.num_cores, info.num_subcores, info.num_lanes
    nw = nc * ns
    bw = b // nw
    nch = bw // 128
    mesh = plsc.VectorSubcoreMesh(core_axis_name="c", subcore_axis_name="s")

    @functools.partial(
        pl.kernel,
        mesh=mesh,
        out_type=jax.ShapeDtypeStruct((nw, nch, 128), jnp.float32),
        scratch_types=[
            pltpu.VMEM((bw,), jnp.int32),
            pltpu.VMEM((nch, 128), jnp.int32),
            pltpu.VMEM((nch, 128), jnp.float32),
            pltpu.SemaphoreType.DMA,
        ],
    )
    def gather_k(preds_hbm, t_hbm, out_hbm, t_v, idx_v, val_v, sem):
        wid = lax.axis_index("s") * nc + lax.axis_index("c")
        base = wid * bw
        pltpu.sync_copy(t_hbm.at[wid], t_v)
        lane_c = lax.iota(jnp.int32, lanes) * c

        def idx_body(j, carry):
            for k in range(128 // lanes):
                off = j * 128 + k * lanes
                tt = t_v[pl.ds(off, lanes)]
                idx_v[j, pl.ds(k * lanes, lanes)] = (base + off) * c + lane_c + tt
            return carry

        lax.fori_loop(0, nch, idx_body, 0)

        def gather_body(j, carry):
            waits = []
            for k in range(8):
                row = j * 8 + k
                waits.append(
                    pltpu.async_copy(
                        preds_hbm.at[idx_v.at[row]], val_v.at[row], sem))
            for w in waits:
                w.wait()
            return carry

        lax.fori_loop(0, nch // 8, gather_body, 0)
        pltpu.sync_copy(val_v, out_hbm.at[wid])

    return gather_k


def _dense_kernel(x_ref, out_ref):
    x = x_ref[...]
    blk, c = x.shape
    h = 0.5 * jnp.tanh(0.5 * x)
    p = 0.5 + h
    om = 0.5 - h
    f2 = p * p * jnp.log2(om)
    scale = -0.6931471805599453 * (1.0 - ALPHA)
    out_ref[0] = scale * jnp.sum(f2.reshape(blk // 8, 8, c), axis=0)


def _corr_kernel(xt_ref, dense_ref, out_ref):
    xt = xt_ref[...]
    e = jnp.exp(-jnp.abs(xt))
    s = 1.0 + e
    l = jnp.log(s)
    r = 1.0 / s
    q = 1.0 - r
    nonneg = xt >= 0.0
    p = jnp.where(nonneg, r, q)
    omp = jnp.where(nonneg, q, r)
    sp = jnp.maximum(xt, 0.0) + l
    g = ALPHA * omp * omp * (sp - xt) - (1.0 - ALPHA) * p * p * sp
    out_ref[0, 0] = jnp.sum(g) + jnp.sum(dense_ref[...])


def kernel(preds, targets):
    b, c = preds.shape
    sc_gather = _make_sc_gather(b, c)
    info = plsc.get_sparse_core_info()
    n_workers = info.num_cores * info.num_subcores
    bw = b // n_workers
    t2d = targets.astype(jnp.int32).reshape(n_workers, bw)

    blk = 16384
    grid = b // blk
    dense = pl.pallas_call(
        _dense_kernel,
        grid=(grid,),
        in_specs=[pl.BlockSpec((blk, c), lambda i: (i, 0))],
        out_specs=pl.BlockSpec((1, 8, c), lambda i: (i, 0, 0)),
        out_shape=jax.ShapeDtypeStruct((grid, 8, c), jnp.float32),
        compiler_params=pltpu.CompilerParams(
            dimension_semantics=("parallel",)),
    )(preds)

    xt = sc_gather(preds.reshape(b * c), t2d)

    xt2 = xt.reshape(b // 1024, 1024)
    total = pl.pallas_call(
        _corr_kernel,
        in_specs=[
            pl.BlockSpec((b // 1024, 1024), lambda: (0, 0)),
            pl.BlockSpec((grid, 8, c), lambda: (0, 0, 0)),
        ],
        out_specs=pl.BlockSpec(memory_space=pltpu.SMEM),
        out_shape=jax.ShapeDtypeStruct((1, 1), jnp.float32),
    )(xt2, dense)

    return total[0, 0] / (b * c)

# --- scband reference (transcript-rebuilt; emitter-appended) ---
"""Pipeline reference for scband-focal-loss-20916490732099 (READ-ONLY COPY).

The authoritative reference and input builder live on the scoring server;
editing this copy changes nothing except your own understanding.
"""

import jax, jax.numpy as jnp
import numpy as np

ALPHA = 0.25
GAMMA = 2.0
IGNORE_INDEX = -100


def setup_inputs(seed: int = 0) -> dict:
    key = jax.random.key(seed)
    k1, k2 = jax.random.split(key)
    preds = jax.random.normal(k1, (524288, 128), dtype=jnp.float32)
    targets = jax.random.randint(k2, (524288, 1), 0, 128, dtype=jnp.int64)
    return {"preds": preds, "targets": targets}


def reference(preds, targets):
    # mask rows whose target equals ignore_index (none match here; mask kept faithful)
    mask = (targets == IGNORE_INDEX)[:, 0]
    valid = jnp.logical_not(mask)
    b, c = preds.shape
    # one-hot via scatter-overwrite (torch scatter_(1, targets, 1.0))
    rows = jnp.arange(b)
    cols = jnp.clip(targets[:, 0], 0, c - 1)
    targets_onehot = jnp.zeros((b, c), dtype=preds.dtype).at[rows, cols].set(1.0)
    # zero out one-hot for invalid rows (torch drops these rows entirely)
    targets_onehot = targets_onehot * valid[:, None].astype(preds.dtype)
    positive_label_mask = targets_onehot == 1.0
    # BCEWithLogitsLoss(reduction='none'): max(x,0) - x*z + log(1+exp(-|x|))
    sigmoid_cross_entropy = (jnp.maximum(preds, 0.0) - preds * targets_onehot
                             + jnp.log1p(jnp.exp(-jnp.abs(preds))))
    probs = jax.nn.sigmoid(preds)
    probs_gt = jnp.where(positive_label_mask, probs, 1.0 - probs)
    modulator = jnp.power(1.0 - probs_gt, GAMMA)
    loss = modulator * sigmoid_cross_entropy
    weighted_loss = jnp.where(positive_label_mask, ALPHA * loss, (1.0 - ALPHA) * loss)
    # apply row validity mask, then mean over the kept elements
    weighted_loss = weighted_loss * valid[:, None].astype(preds.dtype)
    n_valid = jnp.sum(valid.astype(preds.dtype))
    return jnp.sum(weighted_loss) / (n_valid * c)

if __name__ == "__main__":
    import jax
    _d = setup_inputs()
    print(jax.jit(kernel)(*tuple(_d.values())))

</pallas_src>

<mosaic_0001>
#map = affine_map<(d0, d1) -> (0)>
#map1 = affine_map<(d0, d1) -> (0, 0)>
#map2 = affine_map<(d0, d1) -> (0, 0, 0)>
module attributes {stable_mosaic.version = 14 : i64} {
  func.func @gather_k(%arg0: i32, %arg1: i32, %arg2: memref<67108864xf32, #tpu.memory_space<hbm>>, %arg3: memref<32x16384xi32, #tpu.memory_space<hbm>>, %arg4: memref<32x128x128xf32, #tpu.memory_space<hbm>>, %arg5: memref<16384xi32, #tpu.memory_space<vmem>>, %arg6: memref<128x128xi32, #tpu.memory_space<vmem>>, %arg7: memref<128x128xf32, #tpu.memory_space<vmem>>, %arg8: memref<!tpu.dma_semaphore, #tpu.memory_space<semaphore_mem>>) attributes {dimension_semantics = [#tpu.dimension_semantics<core_parallel>, #tpu.dimension_semantics<subcore_parallel>], iteration_bounds = array<i64: 2, 16>, scalar_prefetch = 0 : i64, scratch_operands = 4 : i64, tpu.core_type = #tpu.core_type<sc_vector_subcore>, window_params = [{transform_indices = #map}, {transform_indices = #map1}, {transform_indices = #map2}]} {
    %mul3A = arith.constant 2 : i32
    %mul3A_0 = arith.muli %arg1, %mul3A : i32
    %add3A = arith.addi %mul3A_0, %arg0 : i32
    %mul3A_1 = arith.constant 16384 : i32
    %mul3A_2 = arith.muli %add3A, %mul3A_1 : i32
    "tpu.region"() ({
      %run_scoped3A = tpu.sem_alloc : memref<!tpu.dma_semaphore, #tpu.memory_space<semaphore_mem>>
      %dma_start3A = arith.constant 0 : i32
      %dma_start3A_17 = tpu.memref_slice %arg3[%add3A, %dma_start3A] : memref<32x16384xi32, #tpu.memory_space<hbm>> -> memref<1x16384xi32, #tpu.memory_space<hbm>>
      %dma_start3A_18 = tpu.memref_squeeze %dma_start3A_17 : memref<1x16384xi32, #tpu.memory_space<hbm>> -> memref<16384xi32, #tpu.memory_space<hbm>>
      %dma_start3A_19 = arith.constant 0 : i32
      %dma_start3A_20 = tpu.memref_slice %arg3[%add3A, %dma_start3A_19] : memref<32x16384xi32, #tpu.memory_space<hbm>> -> memref<1x16384xi32, #tpu.memory_space<hbm>>
      %dma_start3A_21 = tpu.memref_squeeze %dma_start3A_20 : memref<1x16384xi32, #tpu.memory_space<hbm>> -> memref<16384xi32, #tpu.memory_space<hbm>>
      tpu.enqueue_dma source(%dma_start3A_21 : memref<16384xi32, #tpu.memory_space<hbm>>) target(%arg5 : memref<16384xi32, #tpu.memory_space<vmem>>) target_semaphore(%run_scoped3A : memref<!tpu.dma_semaphore, #tpu.memory_space<semaphore_mem>>)
      %dma_wait3A = arith.constant 0 : i32
      %dma_wait3A_22 = tpu.memref_slice %arg3[%add3A, %dma_wait3A] : memref<32x16384xi32, #tpu.memory_space<hbm>> -> memref<1x16384xi32, #tpu.memory_space<hbm>>
      %dma_wait3A_23 = tpu.memref_squeeze %dma_wait3A_22 : memref<1x16384xi32, #tpu.memory_space<hbm>> -> memref<16384xi32, #tpu.memory_space<hbm>>
      %dma_wait3A_24 = arith.constant 0 : i32
      %dma_wait3A_25 = tpu.memref_slice %arg3[%add3A, %dma_wait3A_24] : memref<32x16384xi32, #tpu.memory_space<hbm>> -> memref<1x16384xi32, #tpu.memory_space<hbm>>
      %dma_wait3A_26 = tpu.memref_squeeze %dma_wait3A_25 : memref<1x16384xi32, #tpu.memory_space<hbm>> -> memref<16384xi32, #tpu.memory_space<hbm>>
      tpu.wait_dma2 semaphore(%run_scoped3A : memref<!tpu.dma_semaphore, #tpu.memory_space<semaphore_mem>>) src(%dma_wait3A_26 : memref<16384xi32, #tpu.memory_space<hbm>>) dst(%arg5 : memref<16384xi32, #tpu.memory_space<vmem>>)
      tpu.yield
    }) : () -> ()
    %iota3A = tpu.iota {dimensions = array<i32: 0>} : vector<16xi32>
    %mul3A_3 = arith.constant 128 : i32
    %mul3A_4 = vector.broadcast %mul3A_3 : i32 to vector<16xi32>
    %mul3A_5 = arith.muli %iota3A, %mul3A_4 : vector<16xi32>
    %scan3A = arith.constant 0 : i32
    %scan3A_6 = arith.constant 0 : i32
    %scan3A_7 = arith.constant 128 : i32
    %scan3A_8 = arith.addi %scan3A_6, %scan3A_7 : i32
    %scan3A_9 = arith.constant 1 : i32
    scf.for %scan3A_17 = %scan3A_6 to %scan3A_8 step %scan3A_9  : i32 {
      %mul3A_18 = arith.constant 128 : i32
      %mul3A_19 = arith.muli %scan3A_17, %mul3A_18 : i32
      %add3A_20 = arith.constant 0 : i32
      %add3A_21 = arith.addi %mul3A_19, %add3A_20 : i32
      %get3A = arith.index_cast %add3A_21 : i32 to index
      %get3A_22 = tpu.vector_load %arg5[%get3A] {strides = array<i32>} : memref<16384xi32, #tpu.memory_space<vmem>>, vector<16xi32>,
      %get3A_23 = vector.shape_cast %get3A_22 : vector<16xi32> to vector<16xi32>
      %add3A_24 = arith.addi %mul3A_2, %add3A_21 : i32
      %mul3A_25 = arith.constant 128 : i32
      %mul3A_26 = arith.muli %add3A_24, %mul3A_25 : i32
      %add3A_27 = vector.broadcast %mul3A_26 : i32 to vector<16xi32>
      %add3A_28 = arith.addi %add3A_27, %mul3A_5 : vector<16xi32>
      %add3A_29 = arith.addi %add3A_28, %get3A_23 : vector<16xi32>
      %swap3A = arith.index_cast %scan3A_17 : i32 to index
      %swap3A_30 = arith.constant 0 : index
      %swap3A_31 = tpu.vector_load %arg6[%swap3A, %swap3A_30] {strides = array<i32>} : memref<128x128xi32, #tpu.memory_space<vmem>>, vector<1x16xi32>,
      %swap3A_32 = vector.shape_cast %swap3A_31 : vector<1x16xi32> to vector<16xi32>
      %swap3A_33 = vector.shape_cast %add3A_29 : vector<16xi32> to vector<1x16xi32>
      tpu.vector_store %arg6[%swap3A, %swap3A_30], %swap3A_33 {strides = array<i32>} : memref<128x128xi32, #tpu.memory_space<vmem>>, vector<1x16xi32>,
      %mul3A_34 = arith.constant 128 : i32
      %mul3A_35 = arith.muli %scan3A_17, %mul3A_34 : i32
      %add3A_36 = arith.constant 16 : i32
      %add3A_37 = arith.addi %mul3A_35, %add3A_36 : i32
      %get3A_38 = arith.index_cast %add3A_37 : i32 to index
      %get3A_39 = tpu.vector_load %arg5[%get3A_38] {strides = array<i32>} : memref<16384xi32, #tpu.memory_space<vmem>>, vector<16xi32>,
      %get3A_40 = vector.shape_cast %get3A_39 : vector<16xi32> to vector<16xi32>
      %add3A_41 = arith.addi %mul3A_2, %add3A_37 : i32
      %mul3A_42 = arith.constant 128 : i32
      %mul3A_43 = arith.muli %add3A_41, %mul3A_42 : i32
      %add3A_44 = vector.broadcast %mul3A_43 : i32 to vector<16xi32>
      %add3A_45 = arith.addi %add3A_44, %mul3A_5 : vector<16xi32>
      %add3A_46 = arith.addi %add3A_45, %get3A_40 : vector<16xi32>
      %swap3A_47 = arith.index_cast %scan3A_17 : i32 to index
      %swap3A_48 = arith.constant 16 : index
      %swap3A_49 = tpu.vector_load %arg6[%swap3A_47, %swap3A_48] {strides = array<i32>} : memref<128x128xi32, #tpu.memory_space<vmem>>, vector<1x16xi32>,
      %swap3A_50 = vector.shape_cast %swap3A_49 : vector<1x16xi32> to vector<16xi32>
      %swap3A_51 = vector.shape_cast %add3A_46 : vector<16xi32> to vector<1x16xi32>
      tpu.vector_store %arg6[%swap3A_47, %swap3A_48], %swap3A_51 {strides = array<i32>} : memref<128x128xi32, #tpu.memory_space<vmem>>, vector<1x16xi32>,
      %mul3A_52 = arith.constant 128 : i32
      %mul3A_53 = arith.muli %scan3A_17, %mul3A_52 : i32
      %add3A_54 = arith.constant 32 : i32
      %add3A_55 = arith.addi %mul3A_53, %add3A_54 : i32
      %get3A_56 = arith.index_cast %add3A_55 : i32 to index
      %get3A_57 = tpu.vector_load %arg5[%get3A_56] {strides = array<i32>} : memref<16384xi32, #tpu.memory_space<vmem>>, vector<16xi32>,
      %get3A_58 = vector.shape_cast %get3A_57 : vector<16xi32> to vector<16xi32>
      %add3A_59 = arith.addi %mul3A_2, %add3A_55 : i32
      %mul3A_60 = arith.constant 128 : i32
      %mul3A_61 = arith.muli %add3A_59, %mul3A_60 : i32
      %add3A_62 = vector.broadcast %mul3A_61 : i32 to vector<16xi32>
      %add3A_63 = arith.addi %add3A_62, %mul3A_5 : vector<16xi32>
      %add3A_64 = arith.addi %add3A_63, %get3A_58 : vector<16xi32>
      %swap3A_65 = arith.index_cast %scan3A_17 : i32 to index
      %swap3A_66 = arith.constant 32 : index
      %swap3A_67 = tpu.vector_load %arg6[%swap3A_65, %swap3A_66] {strides = array<i32>} : memref<128x128xi32, #tpu.memory_space<vmem>>, vector<1x16xi32>,
      %swap3A_68 = vector.shape_cast %swap3A_67 : vector<1x16xi32> to vector<16xi32>
      %swap3A_69 = vector.shape_cast %add3A_64 : vector<16xi32> to vector<1x16xi32>
      tpu.vector_store %arg6[%swap3A_65, %swap3A_66], %swap3A_69 {strides = array<i32>} : memref<128x128xi32, #tpu.memory_space<vmem>>, vector<1x16xi32>,
      %mul3A_70 = arith.constant 128 : i32
      %mul3A_71 = arith.muli %scan3A_17, %mul3A_70 : i32
      %add3A_72 = arith.constant 48 : i32
      %add3A_73 = arith.addi %mul3A_71, %add3A_72 : i32
      %get3A_74 = arith.index_cast %add3A_73 : i32 to index
      %get3A_75 = tpu.vector_load %arg5[%get3A_74] {strides = array<i32>} : memref<16384xi32, #tpu.memory_space<vmem>>, vector<16xi32>,
      %get3A_76 = vector.shape_cast %get3A_75 : vector<16xi32> to vector<16xi32>
      %add3A_77 = arith.addi %mul3A_2, %add3A_73 : i32
      %mul3A_78 = arith.constant 128 : i32
      %mul3A_79 = arith.muli %add3A_77, %mul3A_78 : i32
      %add3A_80 = vector.broadcast %mul3A_79 : i32 to vector<16xi32>
      %add3A_81 = arith.addi %add3A_80, %mul3A_5 : vector<16xi32>
      %add3A_82 = arith.addi %add3A_81, %get3A_76 : vector<16xi32>
      %swap3A_83 = arith.index_cast %scan3A_17 : i32 to index
      %swap3A_84 = arith.constant 48 : index
      %swap3A_85 = tpu.vector_load %arg6[%swap3A_83, %swap3A_84] {strides = array<i32>} : memref<128x128xi32, #tpu.memory_space<vmem>>, vector<1x16xi32>,
      %swap3A_86 = vector.shape_cast %swap3A_85 : vector<1x16xi32> to vector<16xi32>
      %swap3A_87 = vector.shape_cast %add3A_82 : vector<16xi32> to vector<1x16xi32>
      tpu.vector_store %arg6[%swap3A_83, %swap3A_84], %swap3A_87 {strides = array<i32>} : memref<128x128xi32, #tpu.memory_space<vmem>>, vector<1x16xi32>,
      %mul3A_88 = arith.constant 128 : i32
      %mul3A_89 = arith.muli %scan3A_17, %mul3A_88 : i32
      %add3A_90 = arith.constant 64 : i32
      %add3A_91 = arith.addi %mul3A_89, %add3A_90 : i32
      %get3A_92 = arith.index_cast %add3A_91 : i32 to index
      %get3A_93 = tpu.vector_load %arg5[%get3A_92] {strides = array<i32>} : memref<16384xi32, #tpu.memory_space<vmem>>, vector<16xi32>,
      %get3A_94 = vector.shape_cast %get3A_93 : vector<16xi32> to vector<16xi32>
      %add3A_95 = arith.addi %mul3A_2, %add3A_91 : i32
      %mul3A_96 = arith.constant 128 : i32
      %mul3A_97 = arith.muli %add3A_95, %mul3A_96 : i32
      %add3A_98 = vector.broadcast %mul3A_97 : i32 to vector<16xi32>
      %add3A_99 = arith.addi %add3A_98, %mul3A_5 : vector<16xi32>
      %add3A_100 = arith.addi %add3A_99, %get3A_94 : vector<16xi32>
      %swap3A_101 = arith.index_cast %scan3A_17 : i32 to index
      %swap3A_102 = arith.constant 64 : index
      %swap3A_103 = tpu.vector_load %arg6[%swap3A_101, %swap3A_102] {strides = array<i32>} : memref<128x128xi32, #tpu.memory_space<vmem>>, vector<1x16xi32>,
      %swap3A_104 = vector.shape_cast %swap3A_103 : vector<1x16xi32> to vector<16xi32>
      %swap3A_105 = vector.shape_cast %add3A_100 : vector<16xi32> to vector<1x16xi32>
      tpu.vector_store %arg6[%swap3A_101, %swap3A_102], %swap3A_105 {strides = array<i32>} : memref<128x128xi32, #tpu.memory_space<vmem>>, vector<1x16xi32>,
      %mul3A_106 = arith.constant 128 : i32
      %mul3A_107 = arith.muli %scan3A_17, %mul3A_106 : i32
      %add3A_108 = arith.constant 80 : i32
      %add3A_109 = arith.addi %mul3A_107, %add3A_108 : i32
      %get3A_110 = arith.index_cast %add3A_109 : i32 to index
      %get3A_111 = tpu.vector_load %arg5[%get3A_110] {strides = array<i32>} : memref<16384xi32, #tpu.memory_space<vmem>>, vector<16xi32>,
      %get3A_112 = vector.shape_cast %get3A_111 : vector<16xi32> to vector<16xi32>
      %add3A_113 = arith.addi %mul3A_2, %add3A_109 : i32
      %mul3A_114 = arith.constant 128 : i32
      %mul3A_115 = arith.muli %add3A_113, %mul3A_114 : i32
      %add3A_116 = vector.broadcast %mul3A_115 : i32 to vector<16xi32>
      %add3A_117 = arith.addi %add3A_116, %mul3A_5 : vector<16xi32>
      %add3A_118 = arith.addi %add3A_117, %get3A_112 : vector<16xi32>
      %swap3A_119 = arith.index_cast %scan3A_17 : i32 to index
      %swap3A_120 = arith.constant 80 : index
      %swap3A_121 = tpu.vector_load %arg6[%swap3A_119, %swap3A_120] {strides = array<i32>} : memref<128x128xi32, #tpu.memory_space<vmem>>, vector<1x16xi32>,
      %swap3A_122 = vector.shape_cast %swap3A_121 : vector<1x16xi32> to vector<16xi32>
      %swap3A_123 = vector.shape_cast %add3A_118 : vector<16xi32> to vector<1x16xi32>
      tpu.vector_store %arg6[%swap3A_119, %swap3A_120], %swap3A_123 {strides = array<i32>} : memref<128x128xi32, #tpu.memory_space<vmem>>, vector<1x16xi32>,
      %mul3A_124 = arith.constant 128 : i32
      %mul3A_125 = arith.muli %scan3A_17, %mul3A_124 : i32
      %add3A_126 = arith.constant 96 : i32
      %add3A_127 = arith.addi %mul3A_125, %add3A_126 : i32
      %get3A_128 = arith.index_cast %add3A_127 : i32 to index
      %get3A_129 = tpu.vector_load %arg5[%get3A_128] {strides = array<i32>} : memref<16384xi32, #tpu.memory_space<vmem>>, vector<16xi32>,
      %get3A_130 = vector.shape_cast %get3A_129 : vector<16xi32> to vector<16xi32>
      %add3A_131 = arith.addi %mul3A_2, %add3A_127 : i32
      %mul3A_132 = arith.constant 128 : i32
      %mul3A_133 = arith.muli %add3A_131, %mul3A_132 : i32
      %add3A_134 = vector.broadcast %mul3A_133 : i32 to vector<16xi32>
      %add3A_135 = arith.addi %add3A_134, %mul3A_5 : vector<16xi32>
      %add3A_136 = arith.addi %add3A_135, %get3A_130 : vector<16xi32>
      %swap3A_137 = arith.index_cast %scan3A_17 : i32 to index
      %swap3A_138 = arith.constant 96 : index
      %swap3A_139 = tpu.vector_load %arg6[%swap3A_137, %swap3A_138] {strides = array<i32>} : memref<128x128xi32, #tpu.memory_space<vmem>>, vector<1x16xi32>,
      %swap3A_140 = vector.shape_cast %swap3A_139 : vector<1x16xi32> to vector<16xi32>
      %swap3A_141 = vector.shape_cast %add3A_136 : vector<16xi32> to vector<1x16xi32>
      tpu.vector_store %arg6[%swap3A_137, %swap3A_138], %swap3A_141 {strides = array<i32>} : memref<128x128xi32, #tpu.memory_space<vmem>>, vector<1x16xi32>,
      %mul3A_142 = arith.constant 128 : i32
      %mul3A_143 = arith.muli %scan3A_17, %mul3A_142 : i32
      %add3A_144 = arith.constant 112 : i32
      %add3A_145 = arith.addi %mul3A_143, %add3A_144 : i32
      %get3A_146 = arith.index_cast %add3A_145 : i32 to index
      %get3A_147 = tpu.vector_load %arg5[%get3A_146] {strides = array<i32>} : memref<16384xi32, #tpu.memory_space<vmem>>, vector<16xi32>,
      %get3A_148 = vector.shape_cast %get3A_147 : vector<16xi32> to vector<16xi32>
      %add3A_149 = arith.addi %mul3A_2, %add3A_145 : i32
      %mul3A_150 = arith.constant 128 : i32
      %mul3A_151 = arith.muli %add3A_149, %mul3A_150 : i32
      %add3A_152 = vector.broadcast %mul3A_151 : i32 to vector<16xi32>
      %add3A_153 = arith.addi %add3A_152, %mul3A_5 : vector<16xi32>
      %add3A_154 = arith.addi %add3A_153, %get3A_148 : vector<16xi32>
      %swap3A_155 = arith.index_cast %scan3A_17 : i32 to index
      %swap3A_156 = arith.constant 112 : index
      %swap3A_157 = tpu.vector_load %arg6[%swap3A_155, %swap3A_156] {strides = array<i32>} : memref<128x128xi32, #tpu.memory_space<vmem>>, vector<1x16xi32>,
      %swap3A_158 = vector.shape_cast %swap3A_157 : vector<1x16xi32> to vector<16xi32>
      %swap3A_159 = vector.shape_cast %add3A_154 : vector<16xi32> to vector<1x16xi32>
      tpu.vector_store %arg6[%swap3A_155, %swap3A_156], %swap3A_159 {strides = array<i32>} : memref<128x128xi32, #tpu.memory_space<vmem>>, vector<1x16xi32>,
    }
    %scan3A_10 = arith.constant 128 : i32
    %scan3A_11 = arith.constant 0 : i32
    %scan3A_12 = arith.constant 0 : i32
    %scan3A_13 = arith.constant 16 : i32
    %scan3A_14 = arith.addi %scan3A_12, %scan3A_13 : i32
    %scan3A_15 = arith.constant 1 : i32
    scf.for %scan3A_17 = %scan3A_12 to %scan3A_14 step %scan3A_15  : i32 {
      %mul3A_18 = arith.constant 8 : i32
      %mul3A_19 = arith.muli %scan3A_17, %mul3A_18 : i32
      %add3A_20 = arith.constant 0 : i32
      %add3A_21 = arith.addi %mul3A_19, %add3A_20 : i32
      %dma_start3A = arith.constant 0 : i32
      %dma_start3A_22 = tpu.memref_slice %arg7[%add3A_21, %dma_start3A] : memref<128x128xf32, #tpu.memory_space<vmem>> -> memref<1x128xf32, #tpu.memory_space<vmem>>
      %dma_start3A_23 = tpu.memref_squeeze %dma_start3A_22 : memref<1x128xf32, #tpu.memory_space<vmem>> -> memref<128xf32, #tpu.memory_space<vmem>>
      %dma_start3A_24 = arith.constant 0 : i32
      %dma_start3A_25 = tpu.memref_slice %arg6[%add3A_21, %dma_start3A_24] : memref<128x128xi32, #tpu.memory_space<vmem>> -> memref<1x128xi32, #tpu.memory_space<vmem>>
      %dma_start3A_26 = tpu.memref_squeeze %dma_start3A_25 : memref<1x128xi32, #tpu.memory_space<vmem>> -> memref<128xi32, #tpu.memory_space<vmem>>
      %dma_start3A_27 = arith.constant 0 : i32
      %dma_start3A_28 = tpu.memref_slice %arg2[%dma_start3A_27] : memref<67108864xf32, #tpu.memory_space<hbm>> -> memref<67108864xf32, #tpu.memory_space<hbm>>
      tpu.enqueue_indirect_dma source(%dma_start3A_28 : memref<67108864xf32, #tpu.memory_space<hbm>>) target(%dma_start3A_23 : memref<128xf32, #tpu.memory_space<vmem>>) offsets(%dma_start3A_26 : memref<128xi32, #tpu.memory_space<vmem>>) semaphore(%arg8 : memref<!tpu.dma_semaphore, #tpu.memory_space<semaphore_mem>>)
      %mul3A_29 = arith.constant 8 : i32
      %mul3A_30 = arith.muli %scan3A_17, %mul3A_29 : i32
      %add3A_31 = arith.constant 1 : i32
      %add3A_32 = arith.addi %mul3A_30, %add3A_31 : i32
      %dma_start3A_33 = arith.constant 0 : i32
      %dma_start3A_34 = tpu.memref_slice %arg7[%add3A_32, %dma_start3A_33] : memref<128x128xf32, #tpu.memory_space<vmem>> -> memref<1x128xf32, #tpu.memory_space<vmem>>
      %dma_start3A_35 = tpu.memref_squeeze %dma_start3A_34 : memref<1x128xf32, #tpu.memory_space<vmem>> -> memref<128xf32, #tpu.memory_space<vmem>>
      %dma_start3A_36 = arith.constant 0 : i32
      %dma_start3A_37 = tpu.memref_slice %arg6[%add3A_32, %dma_start3A_36] : memref<128x128xi32, #tpu.memory_space<vmem>> -> memref<1x128xi32, #tpu.memory_space<vmem>>
      %dma_start3A_38 = tpu.memref_squeeze %dma_start3A_37 : memref<1x128xi32, #tpu.memory_space<vmem>> -> memref<128xi32, #tpu.memory_space<vmem>>
      %dma_start3A_39 = arith.constant 0 : i32
      %dma_start3A_40 = tpu.memref_slice %arg2[%dma_start3A_39] : memref<67108864xf32, #tpu.memory_space<hbm>> -> memref<67108864xf32, #tpu.memory_space<hbm>>
      tpu.enqueue_indirect_dma source(%dma_start3A_40 : memref<67108864xf32, #tpu.memory_space<hbm>>) target(%dma_start3A_35 : memref<128xf32, #tpu.memory_space<vmem>>) offsets(%dma_start3A_38 : memref<128xi32, #tpu.memory_space<vmem>>) semaphore(%arg8 : memref<!tpu.dma_semaphore, #tpu.memory_space<semaphore_mem>>)
      %mul3A_41 = arith.constant 8 : i32
      %mul3A_42 = arith.muli %scan3A_17, %mul3A_41 : i32
      %add3A_43 = arith.constant 2 : i32
      %add3A_44 = arith.addi %mul3A_42, %add3A_43 : i32
      %dma_start3A_45 = arith.constant 0 : i32
      %dma_start3A_46 = tpu.memref_slice %arg7[%add3A_44, %dma_start3A_45] : memref<128x128xf32, #tpu.memory_space<vmem>> -> memref<1x128xf32, #tpu.memory_space<vmem>>
      %dma_start3A_47 = tpu.memref_squeeze %dma_start3A_46 : memref<1x128xf32, #tpu.memory_space<vmem>> -> memref<128xf32, #tpu.memory_space<vmem>>
      %dma_start3A_48 = arith.constant 0 : i32
      %dma_start3A_49 = tpu.memref_slice %arg6[%add3A_44, %dma_start3A_48] : memref<128x128xi32, #tpu.memory_space<vmem>> -> memref<1x128xi32, #tpu.memory_space<vmem>>
      %dma_start3A_50 = tpu.memref_squeeze %dma_start3A_49 : memref<1x128xi32, #tpu.memory_space<vmem>> -> memref<128xi32, #tpu.memory_space<vmem>>
      %dma_start3A_51 = arith.constant 0 : i32
      %dma_start3A_52 = tpu.memref_slice %arg2[%dma_start3A_51] : memref<67108864xf32, #tpu.memory_space<hbm>> -> memref<67108864xf32, #tpu.memory_space<hbm>>
      tpu.enqueue_indirect_dma source(%dma_start3A_52 : memref<67108864xf32, #tpu.memory_space<hbm>>) target(%dma_start3A_47 : memref<128xf32, #tpu.memory_space<vmem>>) offsets(%dma_start3A_50 : memref<128xi32, #tpu.memory_space<vmem>>) semaphore(%arg8 : memref<!tpu.dma_semaphore, #tpu.memory_space<semaphore_mem>>)
      %mul3A_53 = arith.constant 8 : i32
      %mul3A_54 = arith.muli %scan3A_17, %mul3A_53 : i32
      %add3A_55 = arith.constant 3 : i32
      %add3A_56 = arith.addi %mul3A_54, %add3A_55 : i32
      %dma_start3A_57 = arith.constant 0 : i32
      %dma_start3A_58 = tpu.memref_slice %arg7[%add3A_56, %dma_start3A_57] : memref<128x128xf32, #tpu.memory_space<vmem>> -> memref<1x128xf32, #tpu.memory_space<vmem>>
      %dma_start3A_59 = tpu.memref_squeeze %dma_start3A_58 : memref<1x128xf32, #tpu.memory_space<vmem>> -> memref<128xf32, #tpu.memory_space<vmem>>
      %dma_start3A_60 = arith.constant 0 : i32
      %dma_start3A_61 = tpu.memref_slice %arg6[%add3A_56, %dma_start3A_60] : memref<128x128xi32, #tpu.memory_space<vmem>> -> memref<1x128xi32, #tpu.memory_space<vmem>>
      %dma_start3A_62 = tpu.memref_squeeze %dma_start3A_61 : memref<1x128xi32, #tpu.memory_space<vmem>> -> memref<128xi32, #tpu.memory_space<vmem>>
      %dma_start3A_63 = arith.constant 0 : i32
      %dma_start3A_64 = tpu.memref_slice %arg2[%dma_start3A_63] : memref<67108864xf32, #tpu.memory_space<hbm>> -> memref<67108864xf32, #tpu.memory_space<hbm>>
      tpu.enqueue_indirect_dma source(%dma_start3A_64 : memref<67108864xf32, #tpu.memory_space<hbm>>) target(%dma_start3A_59 : memref<128xf32, #tpu.memory_space<vmem>>) offsets(%dma_start3A_62 : memref<128xi32, #tpu.memory_space<vmem>>) semaphore(%arg8 : memref<!tpu.dma_semaphore, #tpu.memory_space<semaphore_mem>>)
      %mul3A_65 = arith.constant 8 : i32
      %mul3A_66 = arith.muli %scan3A_17, %mul3A_65 : i32
      %add3A_67 = arith.constant 4 : i32
      %add3A_68 = arith.addi %mul3A_66, %add3A_67 : i32
      %dma_start3A_69 = arith.constant 0 : i32
      %dma_start3A_70 = tpu.memref_slice %arg7[%add3A_68, %dma_start3A_69] : memref<128x128xf32, #tpu.memory_space<vmem>> -> memref<1x128xf32, #tpu.memory_space<vmem>>
      %dma_start3A_71 = tpu.memref_squeeze %dma_start3A_70 : memref<1x128xf32, #tpu.memory_space<vmem>> -> memref<128xf32, #tpu.memory_space<vmem>>
      %dma_start3A_72 = arith.constant 0 : i32
      %dma_start3A_73 = tpu.memref_slice %arg6[%add3A_68, %dma_start3A_72] : memref<128x128xi32, #tpu.memory_space<vmem>> -> memref<1x128xi32, #tpu.memory_space<vmem>>
      %dma_start3A_74 = tpu.memref_squeeze %dma_start3A_73 : memref<1x128xi32, #tpu.memory_space<vmem>> -> memref<128xi32, #tpu.memory_space<vmem>>
      %dma_start3A_75 = arith.constant 0 : i32
      %dma_start3A_76 = tpu.memref_slice %arg2[%dma_start3A_75] : memref<67108864xf32, #tpu.memory_space<hbm>> -> memref<67108864xf32, #tpu.memory_space<hbm>>
      tpu.enqueue_indirect_dma source(%dma_start3A_76 : memref<67108864xf32, #tpu.memory_space<hbm>>) target(%dma_start3A_71 : memref<128xf32, #tpu.memory_space<vmem>>) offsets(%dma_start3A_74 : memref<128xi32, #tpu.memory_space<vmem>>) semaphore(%arg8 : memref<!tpu.dma_semaphore, #tpu.memory_space<semaphore_mem>>)
      %mul3A_77 = arith.constant 8 : i32
      %mul3A_78 = arith.muli %scan3A_17, %mul3A_77 : i32
      %add3A_79 = arith.constant 5 : i32
      %add3A_80 = arith.addi %mul3A_78, %add3A_79 : i32
      %dma_start3A_81 = arith.constant 0 : i32
      %dma_start3A_82 = tpu.memref_slice %arg7[%add3A_80, %dma_start3A_81] : memref<128x128xf32, #tpu.memory_space<vmem>> -> memref<1x128xf32, #tpu.memory_space<vmem>>
      %dma_start3A_83 = tpu.memref_squeeze %dma_start3A_82 : memref<1x128xf32, #tpu.memory_space<vmem>> -> memref<128xf32, #tpu.memory_space<vmem>>
      %dma_start3A_84 = arith.constant 0 : i32
      %dma_start3A_85 = tpu.memref_slice %arg6[%add3A_80, %dma_start3A_84] : memref<128x128xi32, #tpu.memory_space<vmem>> -> memref<1x128xi32, #tpu.memory_space<vmem>>
      %dma_start3A_86 = tpu.memref_squeeze %dma_start3A_85 : memref<1x128xi32, #tpu.memory_space<vmem>> -> memref<128xi32, #tpu.memory_space<vmem>>
      %dma_start3A_87 = arith.constant 0 : i32
      %dma_start3A_88 = tpu.memref_slice %arg2[%dma_start3A_87] : memref<67108864xf32, #tpu.memory_space<hbm>> -> memref<67108864xf32, #tpu.memory_space<hbm>>
      tpu.enqueue_indirect_dma source(%dma_start3A_88 : memref<67108864xf32, #tpu.memory_space<hbm>>) target(%dma_start3A_83 : memref<128xf32, #tpu.memory_space<vmem>>) offsets(%dma_start3A_86 : memref<128xi32, #tpu.memory_space<vmem>>) semaphore(%arg8 : memref<!tpu.dma_semaphore, #tpu.memory_space<semaphore_mem>>)
      %mul3A_89 = arith.constant 8 : i32
      %mul3A_90 = arith.muli %scan3A_17, %mul3A_89 : i32
      %add3A_91 = arith.constant 6 : i32
      %add3A_92 = arith.addi %mul3A_90, %add3A_91 : i32
      %dma_start3A_93 = arith.constant 0 : i32
      %dma_start3A_94 = tpu.memref_slice %arg7[%add3A_92, %dma_start3A_93] : memref<128x128xf32, #tpu.memory_space<vmem>> -> memref<1x128xf32, #tpu.memory_space<vmem>>
      %dma_start3A_95 = tpu.memref_squeeze %dma_start3A_94 : memref<1x128xf32, #tpu.memory_space<vmem>> -> memref<128xf32, #tpu.memory_space<vmem>>
      %dma_start3A_96 = arith.constant 0 : i32
      %dma_start3A_97 = tpu.memref_slice %arg6[%add3A_92, %dma_start3A_96] : memref<128x128xi32, #tpu.memory_space<vmem>> -> memref<1x128xi32, #tpu.memory_space<vmem>>
      %dma_start3A_98 = tpu.memref_squeeze %dma_start3A_97 : memref<1x128xi32, #tpu.memory_space<vmem>> -> memref<128xi32, #tpu.memory_space<vmem>>
      %dma_start3A_99 = arith.constant 0 : i32
      %dma_start3A_100 = tpu.memref_slice %arg2[%dma_start3A_99] : memref<67108864xf32, #tpu.memory_space<hbm>> -> memref<67108864xf32, #tpu.memory_space<hbm>>
      tpu.enqueue_indirect_dma source(%dma_start3A_100 : memref<67108864xf32, #tpu.memory_space<hbm>>) target(%dma_start3A_95 : memref<128xf32, #tpu.memory_space<vmem>>) offsets(%dma_start3A_98 : memref<128xi32, #tpu.memory_space<vmem>>) semaphore(%arg8 : memref<!tpu.dma_semaphore, #tpu.memory_space<semaphore_mem>>)
      %mul3A_101 = arith.constant 8 : i32
      %mul3A_102 = arith.muli %scan3A_17, %mul3A_101 : i32
      %add3A_103 = arith.constant 7 : i32
      %add3A_104 = arith.addi %mul3A_102, %add3A_103 : i32
      %dma_start3A_105 = arith.constant 0 : i32
      %dma_start3A_106 = tpu.memref_slice %arg7[%add3A_104, %dma_start3A_105] : memref<128x128xf32, #tpu.memory_space<vmem>> -> memref<1x128xf32, #tpu.memory_space<vmem>>
      %dma_start3A_107 = tpu.memref_squeeze %dma_start3A_106 : memref<1x128xf32, #tpu.memory_space<vmem>> -> memref<128xf32, #tpu.memory_space<vmem>>
      %dma_start3A_108 = arith.constant 0 : i32
      %dma_start3A_109 = tpu.memref_slice %arg6[%add3A_104, %dma_start3A_108] : memref<128x128xi32, #tpu.memory_space<vmem>> -> memref<1x128xi32, #tpu.memory_space<vmem>>
      %dma_start3A_110 = tpu.memref_squeeze %dma_start3A_109 : memref<1x128xi32, #tpu.memory_space<vmem>> -> memref<128xi32, #tpu.memory_space<vmem>>
      %dma_start3A_111 = arith.constant 0 : i32
      %dma_start3A_112 = tpu.memref_slice %arg2[%dma_start3A_111] : memref<67108864xf32, #tpu.memory_space<hbm>> -> memref<67108864xf32, #tpu.memory_space<hbm>>
      tpu.enqueue_indirect_dma source(%dma_start3A_112 : memref<67108864xf32, #tpu.memory_space<hbm>>) target(%dma_start3A_107 : memref<128xf32, #tpu.memory_space<vmem>>) offsets(%dma_start3A_110 : memref<128xi32, #tpu.memory_space<vmem>>) semaphore(%arg8 : memref<!tpu.dma_semaphore, #tpu.memory_space<semaphore_mem>>)
      %dma_wait3A = arith.constant 0 : i32
      %dma_wait3A_113 = tpu.memref_slice %arg7[%add3A_21, %dma_wait3A] : memref<128x128xf32, #tpu.memory_space<vmem>> -> memref<1x128xf32, #tpu.memory_space<vmem>>
      %dma_wait3A_114 = tpu.memref_squeeze %dma_wait3A_113 : memref<1x128xf32, #tpu.memory_space<vmem>> -> memref<128xf32, #tpu.memory_space<vmem>>
      %dma_wait3A_115 = arith.constant 0 : i32
      %dma_wait3A_116 = tpu.memref_slice %arg6[%add3A_21, %dma_wait3A_115] : memref<128x128xi32, #tpu.memory_space<vmem>> -> memref<1x128xi32, #tpu.memory_space<vmem>>
      %dma_wait3A_117 = tpu.memref_squeeze %dma_wait3A_116 : memref<1x128xi32, #tpu.memory_space<vmem>> -> memref<128xi32, #tpu.memory_space<vmem>>
      %dma_wait3A_118 = arith.constant 0 : i32
      %dma_wait3A_119 = tpu.memref_slice %arg2[%dma_wait3A_118] : memref<67108864xf32, #tpu.memory_space<hbm>> -> memref<67108864xf32, #tpu.memory_space<hbm>>
      tpu.wait_indirect_dma semaphore(%arg8 : memref<!tpu.dma_semaphore, #tpu.memory_space<semaphore_mem>>) src(%dma_wait3A_119 : memref<67108864xf32, #tpu.memory_space<hbm>>) dst(%dma_wait3A_114 : memref<128xf32, #tpu.memory_space<vmem>>)
      %dma_wait3A_120 = arith.constant 0 : i32
      %dma_wait3A_121 = tpu.memref_slice %arg7[%add3A_32, %dma_wait3A_120] : memref<128x128xf32, #tpu.memory_space<vmem>> -> memref<1x128xf32, #tpu.memory_space<vmem>>
      %dma_wait3A_122 = tpu.memref_squeeze %dma_wait3A_121 : memref<1x128xf32, #tpu.memory_space<vmem>> -> memref<128xf32, #tpu.memory_space<vmem>>
      %dma_wait3A_123 = arith.constant 0 : i32
      %dma_wait3A_124 = tpu.memref_slice %arg6[%add3A_32, %dma_wait3A_123] : memref<128x128xi32, #tpu.memory_space<vmem>> -> memref<1x128xi32, #tpu.memory_space<vmem>>
      %dma_wait3A_125 = tpu.memref_squeeze %dma_wait3A_124 : memref<1x128xi32, #tpu.memory_space<vmem>> -> memref<128xi32, #tpu.memory_space<vmem>>
      %dma_wait3A_126 = arith.constant 0 : i32
      %dma_wait3A_127 = tpu.memref_slice %arg2[%dma_wait3A_126] : memref<67108864xf32, #tpu.memory_space<hbm>> -> memref<67108864xf32, #tpu.memory_space<hbm>>
      tpu.wait_indirect_dma semaphore(%arg8 : memref<!tpu.dma_semaphore, #tpu.memory_space<semaphore_mem>>) src(%dma_wait3A_127 : memref<67108864xf32, #tpu.memory_space<hbm>>) dst(%dma_wait3A_122 : memref<128xf32, #tpu.memory_space<vmem>>)
      %dma_wait3A_128 = arith.constant 0 : i32
      %dma_wait3A_129 = tpu.memref_slice %arg7[%add3A_44, %dma_wait3A_128] : memref<128x128xf32, #tpu.memory_space<vmem>> -> memref<1x128xf32, #tpu.memory_space<vmem>>
      %dma_wait3A_130 = tpu.memref_squeeze %dma_wait3A_129 : memref<1x128xf32, #tpu.memory_space<vmem>> -> memref<128xf32, #tpu.memory_space<vmem>>
      %dma_wait3A_131 = arith.constant 0 : i32
      %dma_wait3A_132 = tpu.memref_slice %arg6[%add3A_44, %dma_wait3A_131] : memref<128x128xi32, #tpu.memory_space<vmem>> -> memref<1x128xi32, #tpu.memory_space<vmem>>
      %dma_wait3A_133 = tpu.memref_squeeze %dma_wait3A_132 : memref<1x128xi32, #tpu.memory_space<vmem>> -> memref<128xi32, #tpu.memory_space<vmem>>
      %dma_wait3A_134 = arith.constant 0 : i32
      %dma_wait3A_135 = tpu.memref_slice %arg2[%dma_wait3A_134] : memref<67108864xf32, #tpu.memory_space<hbm>> -> memref<67108864xf32, #tpu.memory_space<hbm>>
      tpu.wait_indirect_dma semaphore(%arg8 : memref<!tpu.dma_semaphore, #tpu.memory_space<semaphore_mem>>) src(%dma_wait3A_135 : memref<67108864xf32, #tpu.memory_space<hbm>>) dst(%dma_wait3A_130 : memref<128xf32, #tpu.memory_space<vmem>>)
      %dma_wait3A_136 = arith.constant 0 : i32
      %dma_wait3A_137 = tpu.memref_slice %arg7[%add3A_56, %dma_wait3A_136] : memref<128x128xf32, #tpu.memory_space<vmem>> -> memref<1x128xf32, #tpu.memory_space<vmem>>
      %dma_wait3A_138 = tpu.memref_squeeze %dma_wait3A_137 : memref<1x128xf32, #tpu.memory_space<vmem>> -> memref<128xf32, #tpu.memory_space<vmem>>
      %dma_wait3A_139 = arith.constant 0 : i32
      %dma_wait3A_140 = tpu.memref_slice %arg6[%add3A_56, %dma_wait3A_139] : memref<128x128xi32, #tpu.memory_space<vmem>> -> memref<1x128xi32, #tpu.memory_space<vmem>>
      %dma_wait3A_141 = tpu.memref_squeeze %dma_wait3A_140 : memref<1x128xi32, #tpu.memory_space<vmem>> -> memref<128xi32, #tpu.memory_space<vmem>>
      %dma_wait3A_142 = arith.constant 0 : i32
      %dma_wait3A_143 = tpu.memref_slice %arg2[%dma_wait3A_142] : memref<67108864xf32, #tpu.memory_space<hbm>> -> memref<67108864xf32, #tpu.memory_space<hbm>>
      tpu.wait_indirect_dma semaphore(%arg8 : memref<!tpu.dma_semaphore, #tpu.memory_space<semaphore_mem>>) src(%dma_wait3A_143 : memref<67108864xf32, #tpu.memory_space<hbm>>) dst(%dma_wait3A_138 : memref<128xf32, #tpu.memory_space<vmem>>)
      %dma_wait3A_144 = arith.constant 0 : i32
      %dma_wait3A_145 = tpu.memref_slice %arg7[%add3A_68, %dma_wait3A_144] : memref<128x128xf32, #tpu.memory_space<vmem>> -> memref<1x128xf32, #tpu.memory_space<vmem>>
      %dma_wait3A_146 = tpu.memref_squeeze %dma_wait3A_145 : memref<1x128xf32, #tpu.memory_space<vmem>> -> memref<128xf32, #tpu.memory_space<vmem>>
      %dma_wait3A_147 = arith.constant 0 : i32
      %dma_wait3A_148 = tpu.memref_slice %arg6[%add3A_68, %dma_wait3A_147] : memref<128x128xi32, #tpu.memory_space<vmem>> -> memref<1x128xi32, #tpu.memory_space<vmem>>
      %dma_wait3A_149 = tpu.memref_squeeze %dma_wait3A_148 : memref<1x128xi32, #tpu.memory_space<vmem>> -> memref<128xi32, #tpu.memory_space<vmem>>
      %dma_wait3A_150 = arith.constant 0 : i32
      %dma_wait3A_151 = tpu.memref_slice %arg2[%dma_wait3A_150] : memref<67108864xf32, #tpu.memory_space<hbm>> -> memref<67108864xf32, #tpu.memory_space<hbm>>
      tpu.wait_indirect_dma semaphore(%arg8 : memref<!tpu.dma_semaphore, #tpu.memory_space<semaphore_mem>>) src(%dma_wait3A_151 : memref<67108864xf32, #tpu.memory_space<hbm>>) dst(%dma_wait3A_146 : memref<128xf32, #tpu.memory_space<vmem>>)
      %dma_wait3A_152 = arith.constant 0 : i32
      %dma_wait3A_153 = tpu.memref_slice %arg7[%add3A_80, %dma_wait3A_152] : memref<128x128xf32, #tpu.memory_space<vmem>> -> memref<1x128xf32, #tpu.memory_space<vmem>>
      %dma_wait3A_154 = tpu.memref_squeeze %dma_wait3A_153 : memref<1x128xf32, #tpu.memory_space<vmem>> -> memref<128xf32, #tpu.memory_space<vmem>>
      %dma_wait3A_155 = arith.constant 0 : i32
      %dma_wait3A_156 = tpu.memref_slice %arg6[%add3A_80, %dma_wait3A_155] : memref<128x128xi32, #tpu.memory_space<vmem>> -> memref<1x128xi32, #tpu.memory_space<vmem>>
      %dma_wait3A_157 = tpu.memref_squeeze %dma_wait3A_156 : memref<1x128xi32, #tpu.memory_space<vmem>> -> memref<128xi32, #tpu.memory_space<vmem>>
      %dma_wait3A_158 = arith.constant 0 : i32
      %dma_wait3A_159 = tpu.memref_slice %arg2[%dma_wait3A_158] : memref<67108864xf32, #tpu.memory_space<hbm>> -> memref<67108864xf32, #tpu.memory_space<hbm>>
      tpu.wait_indirect_dma semaphore(%arg8 : memref<!tpu.dma_semaphore, #tpu.memory_space<semaphore_mem>>) src(%dma_wait3A_159 : memref<67108864xf32, #tpu.memory_space<hbm>>) dst(%dma_wait3A_154 : memref<128xf32, #tpu.memory_space<vmem>>)
      %dma_wait3A_160 = arith.constant 0 : i32
      %dma_wait3A_161 = tpu.memref_slice %arg7[%add3A_92, %dma_wait3A_160] : memref<128x128xf32, #tpu.memory_space<vmem>> -> memref<1x128xf32, #tpu.memory_space<vmem>>
      %dma_wait3A_162 = tpu.memref_squeeze %dma_wait3A_161 : memref<1x128xf32, #tpu.memory_space<vmem>> -> memref<128xf32, #tpu.memory_space<vmem>>
      %dma_wait3A_163 = arith.constant 0 : i32
      %dma_wait3A_164 = tpu.memref_slice %arg6[%add3A_92, %dma_wait3A_163] : memref<128x128xi32, #tpu.memory_space<vmem>> -> memref<1x128xi32, #tpu.memory_space<vmem>>
      %dma_wait3A_165 = tpu.memref_squeeze %dma_wait3A_164 : memref<1x128xi32, #tpu.memory_space<vmem>> -> memref<128xi32, #tpu.memory_space<vmem>>
      %dma_wait3A_166 = arith.constant 0 : i32
      %dma_wait3A_167 = tpu.memref_slice %arg2[%dma_wait3A_166] : memref<67108864xf32, #tpu.memory_space<hbm>> -> memref<67108864xf32, #tpu.memory_space<hbm>>
      tpu.wait_indirect_dma semaphore(%arg8 : memref<!tpu.dma_semaphore, #tpu.memory_space<semaphore_mem>>) src(%dma_wait3A_167 : memref<67108864xf32, #tpu.memory_space<hbm>>) dst(%dma_wait3A_162 : memref<128xf32, #tpu.memory_space<vmem>>)
      %dma_wait3A_168 = arith.constant 0 : i32
      %dma_wait3A_169 = tpu.memref_slice %arg7[%add3A_104, %dma_wait3A_168] : memref<128x128xf32, #tpu.memory_space<vmem>> -> memref<1x128xf32, #tpu.memory_space<vmem>>
      %dma_wait3A_170 = tpu.memref_squeeze %dma_wait3A_169 : memref<1x128xf32, #tpu.memory_space<vmem>> -> memref<128xf32, #tpu.memory_space<vmem>>
      %dma_wait3A_171 = arith.constant 0 : i32
      %dma_wait3A_172 = tpu.memref_slice %arg6[%add3A_104, %dma_wait3A_171] : memref<128x128xi32, #tpu.memory_space<vmem>> -> memref<1x128xi32, #tpu.memory_space<vmem>>
      %dma_wait3A_173 = tpu.memref_squeeze %dma_wait3A_172 : memref<1x128xi32, #tpu.memory_space<vmem>> -> memref<128xi32, #tpu.memory_space<vmem>>
      %dma_wait3A_174 = arith.constant 0 : i32
      %dma_wait3A_175 = tpu.memref_slice %arg2[%dma_wait3A_174] : memref<67108864xf32, #tpu.memory_space<hbm>> -> memref<67108864xf32, #tpu.memory_space<hbm>>
      tpu.wait_indirect_dma semaphore(%arg8 : memref<!tpu.dma_semaphore, #tpu.memory_space<semaphore_mem>>) src(%dma_wait3A_175 : memref<67108864xf32, #tpu.memory_space<hbm>>) dst(%dma_wait3A_170 : memref<128xf32, #tpu.memory_space<vmem>>)
    }
    %scan3A_16 = arith.constant 16 : i32
    "tpu.region"() ({
      %run_scoped3A = tpu.sem_alloc : memref<!tpu.dma_semaphore, #tpu.memory_space<semaphore_mem>>
      %dma_start3A = arith.constant 0 : i32
      %dma_start3A_17 = arith.constant 0 : i32
      %dma_start3A_18 = tpu.memref_slice %arg4[%add3A, %dma_start3A, %dma_start3A_17] : memref<32x128x128xf32, #tpu.memory_space<hbm>> -> memref<1x128x128xf32, #tpu.memory_space<hbm>>
      %dma_start3A_19 = tpu.memref_squeeze %dma_start3A_18 : memref<1x128x128xf32, #tpu.memory_space<hbm>> -> memref<128x128xf32, #tpu.memory_space<hbm>>
      %dma_start3A_20 = arith.constant 0 : i32
      %dma_start3A_21 = arith.constant 0 : i32
      %dma_start3A_22 = tpu.memref_slice %arg4[%add3A, %dma_start3A_20, %dma_start3A_21] : memref<32x128x128xf32, #tpu.memory_space<hbm>> -> memref<1x128x128xf32, #tpu.memory_space<hbm>>
      %dma_start3A_23 = tpu.memref_squeeze %dma_start3A_22 : memref<1x128x128xf32, #tpu.memory_space<hbm>> -> memref<128x128xf32, #tpu.memory_space<hbm>>
      tpu.enqueue_dma source(%arg7 : memref<128x128xf32, #tpu.memory_space<vmem>>) target(%dma_start3A_23 : memref<128x128xf32, #tpu.memory_space<hbm>>) target_semaphore(%run_scoped3A : memref<!tpu.dma_semaphore, #tpu.memory_space<semaphore_mem>>)
      %dma_wait3A = arith.constant 0 : i32
      %dma_wait3A_24 = arith.constant 0 : i32
      %dma_wait3A_25 = tpu.memref_slice %arg4[%add3A, %dma_wait3A, %dma_wait3A_24] : memref<32x128x128xf32, #tpu.memory_space<hbm>> -> memref<1x128x128xf32, #tpu.memory_space<hbm>>
      %dma_wait3A_26 = tpu.memref_squeeze %dma_wait3A_25 : memref<1x128x128xf32, #tpu.memory_space<hbm>> -> memref<128x128xf32, #tpu.memory_space<hbm>>
      %dma_wait3A_27 = arith.constant 0 : i32
      %dma_wait3A_28 = arith.constant 0 : i32
      %dma_wait3A_29 = tpu.memref_slice %arg4[%add3A, %dma_wait3A_27, %dma_wait3A_28] : memref<32x128x128xf32, #tpu.memory_space<hbm>> -> memref<1x128x128xf32, #tpu.memory_space<hbm>>
      %dma_wait3A_30 = tpu.memref_squeeze %dma_wait3A_29 : memref<1x128x128xf32, #tpu.memory_space<hbm>> -> memref<128x128xf32, #tpu.memory_space<hbm>>
      tpu.wait_dma2 semaphore(%run_scoped3A : memref<!tpu.dma_semaphore, #tpu.memory_space<semaphore_mem>>) src(%arg7 : memref<128x128xf32, #tpu.memory_space<vmem>>) dst(%dma_wait3A_30 : memref<128x128xf32, #tpu.memory_space<hbm>>)
      tpu.yield
    }) : () -> ()
    return
  }
}

module attributes {stable_mosaic.version = 14 : i64} {
  func.func @_corr_kernel(%arg0: memref<512x1024xf32, #tpu.memory_space<vmem>>, %arg1: memref<32x8x128xf32, #tpu.memory_space<vmem>>, %arg2: memref<1x1xf32, #tpu.memory_space<smem>>) attributes {dimension_semantics = [], scalar_prefetch = 0 : i64, scratch_operands = 0 : i64, tpu.core_type = #tpu.core_type<tc>} {
    %get3A = arith.constant 0 : index
    %get3A_0 = arith.constant 0 : index
    %get3A_1 = vector.load %arg0[%get3A, %get3A_0] : memref<512x1024xf32, #tpu.memory_space<vmem>>, vector<512x1024xf32>
    %abs3A = math.absf %get3A_1 : vector<512x1024xf32>
    %neg3A = arith.constant 0.000000e+00 : f32
    %neg3A_2 = vector.broadcast %neg3A : f32 to vector<512x1024xf32>
    %neg3A_3 = arith.subf %neg3A_2, %abs3A : vector<512x1024xf32>
    %exp3A = math.exp %neg3A_3 : vector<512x1024xf32>
    %add3A = arith.constant 1.000000e+00 : f32
    %add3A_4 = vector.broadcast %add3A : f32 to vector<512x1024xf32>
    %add3A_5 = arith.addf %add3A_4, %exp3A : vector<512x1024xf32>
    %log3A = math.log %add3A_5 : vector<512x1024xf32>
    %div3A = arith.constant 1.000000e+00 : f32
    %div3A_6 = vector.broadcast %div3A : f32 to vector<512x1024xf32>
    %div3A_7 = arith.divf %div3A_6, %add3A_5 : vector<512x1024xf32>
    %sub3A = arith.constant 1.000000e+00 : f32
    %sub3A_8 = vector.broadcast %sub3A : f32 to vector<512x1024xf32>
    %sub3A_9 = arith.subf %sub3A_8, %div3A_7 : vector<512x1024xf32>
    %ge3A = arith.constant 0.000000e+00 : f32
    %ge3A_10 = vector.broadcast %ge3A : f32 to vector<512x1024xf32>
    %ge3A_11 = arith.cmpf oge, %get3A_1, %ge3A_10 : vector<512x1024xf32>
    %select_n3A = arith.select %ge3A_11, %div3A_7, %sub3A_9 : vector<512x1024xi1>, vector<512x1024xf32>
    %select_n3A_12 = arith.select %ge3A_11, %sub3A_9, %div3A_7 : vector<512x1024xi1>, vector<512x1024xf32>
    %max3A = arith.constant 0.000000e+00 : f32
    %max3A_13 = vector.broadcast %max3A : f32 to vector<512x1024xf32>
    %max3A_14 = arith.maximumf %get3A_1, %max3A_13 : vector<512x1024xf32>
    %add3A_15 = arith.addf %max3A_14, %log3A : vector<512x1024xf32>
    %mul3A = arith.constant 2.500000e-01 : f32
    %mul3A_16 = vector.broadcast %mul3A : f32 to vector<512x1024xf32>
    %mul3A_17 = arith.mulf %mul3A_16, %select_n3A_12 : vector<512x1024xf32>
    %mul3A_18 = arith.mulf %mul3A_17, %select_n3A_12 : vector<512x1024xf32>
    %sub3A_19 = arith.subf %add3A_15, %get3A_1 : vector<512x1024xf32>
    %mul3A_20 = arith.mulf %mul3A_18, %sub3A_19 : vector<512x1024xf32>
    %mul3A_21 = arith.constant 7.500000e-01 : f32
    %mul3A_22 = vector.broadcast %mul3A_21 : f32 to vector<512x1024xf32>
    %mul3A_23 = arith.mulf %mul3A_22, %select_n3A : vector<512x1024xf32>
    %mul3A_24 = arith.mulf %mul3A_23, %select_n3A : vector<512x1024xf32>
    %mul3A_25 = arith.mulf %mul3A_24, %add3A_15 : vector<512x1024xf32>
    %sub3A_26 = arith.subf %mul3A_20, %mul3A_25 : vector<512x1024xf32>
    %reduce_sum3A = vector.shape_cast %sub3A_26 : vector<512x1024xf32> to vector<1x512x1024xf32>
    %reduce_sum3A_27 = arith.constant dense<0.000000e+00> : vector<1xf32>
    %reduce_sum3A_28 = vector.multi_reduction <add>, %reduce_sum3A, %reduce_sum3A_27 [1, 2] : vector<1x512x1024xf32> to vector<1xf32>
    %reduce_sum3A_29 = vector.shape_cast %reduce_sum3A_28 : vector<1xf32> to vector<1x1x1xf32>
    %reduce_sum3A_30 = vector.extract %reduce_sum3A_29[0, 0, 0] : f32 from vector<1x1x1xf32>
    %get3A_31 = arith.constant 0 : index
    %get3A_32 = arith.constant 0 : index
    %get3A_33 = arith.constant 0 : index
    %get3A_34 = vector.load %arg1[%get3A_31, %get3A_32, %get3A_33] : memref<32x8x128xf32, #tpu.memory_space<vmem>>, vector<32x8x128xf32>
    %reduce_sum3A_35 = vector.shape_cast %get3A_34 : vector<32x8x128xf32> to vector<1x32x8x128xf32>
    %reduce_sum3A_36 = arith.constant dense<0.000000e+00> : vector<1xf32>
    %reduce_sum3A_37 = vector.multi_reduction <add>, %reduce_sum3A_35, %reduce_sum3A_36 [1, 2, 3] : vector<1x32x8x128xf32> to vector<1xf32>
    %reduce_sum3A_38 = vector.shape_cast %reduce_sum3A_37 : vector<1xf32> to vector<1x1x1x1xf32>
    %reduce_sum3A_39 = vector.extract %reduce_sum3A_38[0, 0, 0, 0] : f32 from vector<1x1x1x1xf32>
    %add3A_40 = arith.addf %reduce_sum3A_30, %reduce_sum3A_39 : f32
    %swap3A = arith.constant 0 : index
    %swap3A_41 = arith.constant 0 : index
    %swap3A_42 = memref.load %arg2[%swap3A, %swap3A_41] : memref<1x1xf32, #tpu.memory_space<smem>>
    memref.store %add3A_40, %arg2[%swap3A, %swap3A_41] : memref<1x1xf32, #tpu.memory_space<smem>>
    return
  }
}

module attributes {stable_mosaic.version = 14 : i64} {
  func.func @_dense_kernel(%arg0: i32, %arg1: memref<16384x128xf32, #tpu.memory_space<vmem>>, %arg2: memref<1x8x128xf32, #tpu.memory_space<vmem>>) attributes {dimension_semantics = [#tpu.dimension_semantics<parallel>], iteration_bounds = array<i64: 32>, scalar_prefetch = 0 : i64, scratch_operands = 0 : i64, tpu.core_type = #tpu.core_type<tc>, window_params = [{transform_indices = @transform_0, window_bounds = array<i64: 16384, 128>}, {transform_indices = @transform_1, window_bounds = array<i64: 1, 8, 128>}]} {
    %get3A = arith.constant 0 : index
    %get3A_0 = arith.constant 0 : index
    %get3A_1 = vector.load %arg1[%get3A, %get3A_0] : memref<16384x128xf32, #tpu.memory_space<vmem>>, vector<16384x128xf32>
    %mul3A = arith.constant 5.000000e-01 : f32
    %mul3A_2 = vector.broadcast %mul3A : f32 to vector<16384x128xf32>
    %mul3A_3 = arith.mulf %mul3A_2, %get3A_1 : vector<16384x128xf32>
    %tanh3A = math.tanh %mul3A_3 : vector<16384x128xf32>
    %mul3A_4 = arith.constant 5.000000e-01 : f32
    %mul3A_5 = vector.broadcast %mul3A_4 : f32 to vector<16384x128xf32>
    %mul3A_6 = arith.mulf %mul3A_5, %tanh3A : vector<16384x128xf32>
    %add3A = arith.constant 5.000000e-01 : f32
    %add3A_7 = vector.broadcast %add3A : f32 to vector<16384x128xf32>
    %add3A_8 = arith.addf %add3A_7, %mul3A_6 : vector<16384x128xf32>
    %sub3A = arith.constant 5.000000e-01 : f32
    %sub3A_9 = vector.broadcast %sub3A : f32 to vector<16384x128xf32>
    %sub3A_10 = arith.subf %sub3A_9, %mul3A_6 : vector<16384x128xf32>
    %mul3A_11 = arith.mulf %add3A_8, %add3A_8 : vector<16384x128xf32>
    %log3A = math.log %sub3A_10 : vector<16384x128xf32>
    %log3A_12 = arith.constant 2.000000e+00 : f32
    %log3A_13 = math.log %log3A_12 : f32
    %div3A = vector.broadcast %log3A_13 : f32 to vector<16384x128xf32>
    %div3A_14 = arith.divf %log3A, %div3A : vector<16384x128xf32>
    %mul3A_15 = arith.mulf %mul3A_11, %div3A_14 : vector<16384x128xf32>
    %reshape3A = vector.shape_cast %mul3A_15 : vector<16384x128xf32> to vector<2048x8x128xf32>
    %reduce_sum3A = arith.constant dense<0.000000e+00> : vector<8x128xf32>
    %reduce_sum3A_16 = vector.multi_reduction <add>, %reshape3A, %reduce_sum3A [0] : vector<2048x8x128xf32> to vector<8x128xf32>
    %mul3A_17 = arith.constant -0.519860387 : f32
    %mul3A_18 = vector.broadcast %mul3A_17 : f32 to vector<8x128xf32>
    %mul3A_19 = arith.mulf %mul3A_18, %reduce_sum3A_16 : vector<8x128xf32>
    %swap3A = arith.constant 0 : index
    %swap3A_20 = arith.constant 0 : index
    %swap3A_21 = arith.constant 0 : index
    %swap3A_22 = vector.load %arg2[%swap3A, %swap3A_20, %swap3A_21] : memref<1x8x128xf32, #tpu.memory_space<vmem>>, vector<1x8x128xf32>
    %swap3A_23 = vector.shape_cast %swap3A_22 : vector<1x8x128xf32> to vector<8x128xf32>
    %swap3A_24 = vector.shape_cast %mul3A_19 : vector<8x128xf32> to vector<1x8x128xf32>
    tpu.vector_store %arg2[%swap3A, %swap3A_20, %swap3A_21], %swap3A_24 {strides = array<i32>} : memref<1x8x128xf32, #tpu.memory_space<vmem>>, vector<1x8x128xf32>,
    return
  }
  func.func @transform_0(%arg0: i32) -> (i32, i32) {
    %c0_i32 = arith.constant 0 : i32
    %c0_i32_0 = arith.constant 0 : i32
    return %arg0, %c0_i32 : i32, i32
  }
  func.func @transform_1(%arg0: i32) -> (i32, i32, i32) {
    %c0_i32 = arith.constant 0 : i32
    %c0_i32_0 = arith.constant 0 : i32
    %c0_i32_1 = arith.constant 0 : i32
    return %arg0, %c0_i32, %c0_i32_0 : i32, i32, i32
  }
}

</mosaic_0001>

<sc_bundles>
// kernel: kernel.5.cloned.1.call-start
scs
__scs_entry_jumppad:
0x0: {  	(pc) =	sbr.rel $0x88, $3  }
0x1: {  	(tag) =	ssettag $0x0;
	lr =	simm.s32 $0x1  }
0x2: {  	[smem:$0x3F9F] =	sst lr;
	_ =	strace $0xD0000000  }
0x3: {  	_ = 	snop  }
0x4: {  	_ = 	snop  }
0x5: {  	_ = 	snop  }
0x6: {  	_ = 	snop  }
0x7: {  	_ = 	snop  }
__scs_overlays_trampoline_lowered:
0x8: {  	[smem:$0x3FAE] =	sst s0  }
0x9: {  	[smem:$0x3FAF] =	sst s1  }
0xa: {  	[smem:$0x3FB0] =	sst s2  }
0xb: {  	[smem:$0x3FB1] =	sst s3  }
0xc: {  	[smem:$0x3FB2] =	sst s4  }
0xd: {  	[smem:$0x3FB3] =	sst s5  }
0xe: {  	[smem:$0x3FB4] =	sst s6  }
0xf: {  	[smem:$0x3FB5] =	sst s7  }
0x10: {  	[smem:$0x3FB6] =	sst s8  }
0x11: {  	[smem:$0x3FB7] =	sst s9;
	s0 =	simm.s32 @!p0 $0x0  }
0x12: {  	s1 =	sld [smem:$0x3F9D];
	s0 =	simm.s32 @p0 $0x1  }
0x13: {  	[smem:$0x3FB8] =	sst s0;
	s0 =	simm.s32 @!p1 $0x0  }
0x14: {  	s2 =	sld [smem:$0x3F9C];
	s0 =	simm.s32 @p1 $0x1  }
0x15: {  	[smem:$0x3FB9] =	sst s0;
	s0 =	simm.s32 @!p2 $0x0  }
0x16: {  	s3 =	sld [smem:$0x3FDB];
	s0 =	simm.s32 @p2 $0x1  }
0x17: {  	s4 =	simm.s32 $0x1BF5;
	[smem:$0x3FBB] =	sst s0  }
0x18: {  	s0 =	sld [smem:$0x3F9E];
	_ =	swait.ge [sflag:s4], $0x0  }
0x19: {  	s7 =	sld [smem:$0x3F9F]  }
0x1a: {  	s8 =	sadd.s32 $0xFFFFE003, lr  }
0x1b: {  	s9 =	sadd.s32 $0xFFFFFEF7, lr;
	s5 =	simm.s32 $0xFFFFFFFF;
	p2 =	slt.u32 s8, $0xFFFFF086  }
0x1c: {  	p1 =	slt.u32 s9, $0xF7A;
	s5 =	simm.s32 @!p2 $0x0  }
0x1d: {  	s5 =	simm.s32 @p1 $0x1;
	p0 =	seq.s32 s7, s2  }
0x1e: {  	s7 =	smul.u32 @!p0 $0xF7A, s2;
	p2 =	seq.s32 @!p0 s5, $0x0  }
0x1f: {  	s9 =	smul.u32 $0xF7A, s1;
	s8 =	simm.s32 @!p0 $0x1BF5;
	p2 =	por !p2, p0  }
0x20: {  	[sflag:s8] =	ssyncset.s32 @!p0 $0xFFFFF086;
	s6 =	sadd.s32 @!p0 s3, s7;
	s7 =	simm.s32 @!p0 $0x108  }
0x21: {  	s3 =	sadd.s32 s3, s9;
	s6 =	sadd.s32 @!p0 $0x88, s6;
	s7 =	simm.s32 @p2 $0x1082  }
0x22: {  	[simem:s7], [sflag:s8] =	dma.local @!p0 [hbm:s6], $0xF7A  }
0x23: {  	s9 =	sor.u32 $0xD0000000, s2;
	s6 =	simm.s32 $0x108;
	_ =	swait.ge @!p0 [sflag:s8], $0x0  }
0x24: {  	s3 =	sadd.s32 $0x88, s3;
	s6 =	simm.s32 @!p1 $0x1082;
	[sflag:s4] =	ssyncset.s32 $0xFFFFF086  }
0x25: {  	[simem:s6], [sflag:s4] =	dma.local [hbm:s3], $0xF7A  }
0x26: {  	[smem:$0x3F9F] =	sst s1;
	(tag) =	ssettag s2;
	_ =	strace s9  }
0x27: {  	s1 =	sld [smem:$0x3FAF]  }
0x28: {  	s2 =	sld [smem:$0x3FB0]  }
0x29: {  	s4 =	sld [smem:$0x3FB2]  }
0x2a: {  	p0 =	seq.s32 s5, $0x0;
	s5 =	sld [smem:$0x3FB3]  }
0x2b: {  	s6 =	sld [smem:$0x3FB4]  }
0x2c: {  	s7 =	sld [smem:$0x3FB5]  }
0x2d: {  	s3 =	simm.s32 $0x108;
	s8 =	sld [smem:$0x3FB6]  }
0x2e: {  	s3 =	simm.s32 @!p0 $0x1082;
	s9 =	sld [smem:$0x3FB7]  }
0x2f: {  	lr =	sadd.s32 s0, s3;
	s0 =	sld [smem:$0x3FAE]  }
0x30: {  	s3 =	sld [smem:$0x3FB1]  }
0x31: {  	[smem:$0x3FBA] =	sst s10  }
0x32: {  	s10 =	sld [smem:$0x3FB8];
	_ =	sdelay $0x3  }
0x33: {  	p0 =	seq.s32 s10, $0x1;
	s10 =	sld [smem:$0x3FBA];
	_ =	sdelay $0x3  }
0x34: {  	[smem:$0x3FBA] =	sst s10  }
0x35: {  	s10 =	sld [smem:$0x3FB9];
	_ =	sdelay $0x3  }
0x36: {  	p1 =	seq.s32 s10, $0x1;
	s10 =	sld [smem:$0x3FBA];
	_ =	sdelay $0x3  }
0x37: {  	[smem:$0x3FBA] =	sst s10  }
0x38: {  	s10 =	sld [smem:$0x3FBB]  }
0x39: {  	_ = 	snop;
	(pc) =	sbr.ind lr, $3  }
0x3a: {  	_ = 	snop  }
0x3b: {  	_ = 	snop  }
0x3c: {  	p2 =	seq.s32 s10, $0x1;
	s10 =	sld [smem:$0x3FBA]  }
0x3d: {  	_ =	shalt  }
0x3e: {  	_ =	shalt  }
0x3f: {  	_ =	shalt  }
0x40: {  	_ =	shalt  }
0x41: {  	_ =	shalt  }
0x42: {  	_ =	shalt  }
0x43: {  	_ =	shalt  }
0x44: {  	_ =	shalt  }
0x45: {  	_ =	shalt  }
0x46: {  	_ =	shalt  }
0x47: {  	_ =	shalt  }
0x48: {  	_ =	shalt  }
0x49: {  	_ =	shalt  }
0x4a: {  	_ =	shalt  }
0x4b: {  	_ =	shalt  }
0x4c: {  	_ =	shalt  }
0x4d: {  	_ =	shalt  }
0x4e: {  	_ =	shalt  }
0x4f: {  	_ =	shalt  }
0x50: {  	_ =	shalt  }
0x51: {  	_ =	shalt  }
0x52: {  	_ =	shalt  }
0x53: {  	_ =	shalt  }
0x54: {  	_ =	shalt  }
0x55: {  	_ =	shalt  }
0x56: {  	_ =	shalt  }
0x57: {  	_ =	shalt  }
0x58: {  	_ =	shalt  }
0x59: {  	_ =	shalt  }
0x5a: {  	_ =	shalt  }
0x5b: {  	_ =	shalt  }
0x5c: {  	_ =	shalt  }
0x5d: {  	_ =	shalt  }
0x5e: {  	_ =	shalt  }
0x5f: {  	_ =	shalt  }
0x60: {  	_ =	shalt  }
0x61: {  	_ =	shalt  }
0x62: {  	_ =	shalt  }
0x63: {  	_ =	shalt  }
0x64: {  	_ =	shalt  }
0x65: {  	_ =	shalt  }
0x66: {  	_ =	shalt  }
0x67: {  	_ =	shalt  }
0x68: {  	_ =	shalt  }
0x69: {  	_ =	shalt  }
0x6a: {  	_ =	shalt  }
0x6b: {  	_ =	shalt  }
0x6c: {  	_ =	shalt  }
0x6d: {  	_ =	shalt  }
0x6e: {  	_ =	shalt  }
0x6f: {  	_ =	shalt  }
0x70: {  	_ =	shalt  }
0x71: {  	_ =	shalt  }
0x72: {  	_ =	shalt  }
0x73: {  	_ =	shalt  }
0x74: {  	_ =	shalt  }
0x75: {  	_ =	shalt  }
0x76: {  	_ =	shalt  }
0x77: {  	_ =	shalt  }
0x78: {  	_ =	shalt  }
0x79: {  	_ =	shalt  }
0x7a: {  	_ =	shalt  }
0x7b: {  	_ =	shalt  }
0x7c: {  	_ =	shalt  }
0x7d: {  	_ =	shalt  }
0x7e: {  	_ =	shalt  }
0x7f: {  	_ =	shalt  }
0x80: {  	_ =	shalt  }
0x81: {  	_ =	shalt  }
0x82: {  	_ =	shalt  }
0x83: {  	_ =	shalt  }
0x84: {  	_ =	shalt  }
0x85: {  	_ =	shalt  }
0x86: {  	_ =	shalt  }
0x87: {  	_ =	shalt  }
.Lfunc_end0:
.L_simem_size_0:
called_computation_lowered:
.L_overlay_start_0:
0x88: {  	s2 =	sld [smem:$0x3FD9]  }
0x89: {  	s3 =	sld [smem:$0x3FFE];
	_ =	sdelay $0x1  }
0x8a: {  	s1 =	srdreg.scid  }
0x8b: {  	s0 =	sand.u32 $0x1, s1  }
0x8c: {  	s17 =	sshll.u32 s0, $0xA;
	s2 =	sadd.s32 s3, s2  }
0x8d: {  	s2 =	sadd.s32 s2, s17  }
0x8e: {  	[smem:$0x3FC6] =	sst s2  }
0x8f: {  	_ = 	snop  }
0x90: {  	s2 =	sld [smem:$0x3FC9];
	(tm) =	ssettm $0x1  }
0x91: {  	s18 =	sld [smem:$0x3FFB];
	_ =	sdelay $0x3  }
0x92: {  	_ =	strace s18  }
0x93: {  	s3 =	sld [smem:$0x3FFC];
	_ =	sdelay $0x3  }
0x94: {  	_ =	strace s3  }
0x95: {  	s3 =	sld [smem:$0x3FFD];
	_ =	sdelay $0x3  }
0x96: {  	_ =	strace s3  }
0x97: {  	_ =	strace $0x8FFFFFFF  }
0x98: {  	s19 =	sld [smem:$0x3FDB];
	_ =	sdelay $0x1  }
0x99: {  	s4 =	simm.s32 $_scs_section_size  }
0x9a: {  	s5 =	simm.s32 $_size__tile_overlayer_lowered;
	s6 =	simm.s32 $_tile_overlayer_lowered  }
0x9b: {  	s22 =	simm.s32 $0x1BFF;
	s21 =	sshll.u32 s6, $0x1;
	s3 =	sadd.s32 s4, s19  }
0x9c: {  	s7 =	simm.s32 $0x0;
	s20 =	sshll.u32 s5, $0x1;
	s5 =	sadd.s32 s21, s3  }
0x9d: {  	[timem:s7], [sflag:s22] =	dma.local [hbm:s5], s20  }
0x9e: {  	_ =	swait.ge [sflag:s22], s20  }
0x9f: {  	s4 =	ssub.s32 $0x0, s20;
	[sflag:s22] =	ssyncset.done $0x0  }
0xa0: {  	[sflag:s22] =	ssyncadd.s32 s4;
	_ =	sdelay $0x1  }
0xa1: {  	s23 =	simm.s32 $0x1B8B  }
0xa2: {  	_ =	swait.ge [sflag:s23], $0x1  }
0xa3: {  	[sflag:s23] =	ssyncset.done $0x0  }
0xa4: {  	s25 =	simm.s32 $0x1B8E;
	s24 =	sld [smem:$0x3FFE];
	[sflag:s23] =	ssyncadd.s32 $0xFFFFFFFF  }
0xa5: {  	s26 =	simm.s32 $execute0_lowered;
	[smem:$0x3FD2] =	sst s25  }
0xa6: {  	s5 =	sshll.u32 s26, $0x1;
	_ =	strace $0x80000046;
	[dreg:$0x1] =	wrdreg $0xFFFFFFFF  }
0xa7: {  	s28 =	simm.s32 $_size_execute0_lowered;
	s3 =	sadd.s32 s3, s5;
	[dreg:$0x0] =	wrdreg $0x0  }
0xa8: {  	s5 =	sshll.u32 s28, $0x1;
	[dreg:$0x2] =	wrdreg s3  }
0xa9: {  	[dreg:$0x3] =	wrdreg s5  }
0xaa: {  	[dreg:$0x4] =	wrdreg $0xC0  }
0xab: {  	_ =	task [dreg:s7], $0x5FFFF  }
0xac: {  	[dreg:$0x1] =	wrdreg $0xFFFFFFFF  }
0xad: {  	[dreg:$0x0] =	wrdreg $0x60  }
0xae: {  	[dreg:$0x2] =	wrdreg s2  }
0xaf: {  	[dreg:$0x3] =	wrdreg s24  }
0xb0: {  	[dreg:$0x4] =	wrdreg $0x9  }
0xb1: {  	_ =	task.clear_ibuf [dreg:s7], $0x5FFFF;
	_ =	strace $0x90000046  }
0xb2: {  	s29 =	simm.s32 $0x9;
	_ =	strace $0x80000048  }
0xb3: {  	_ =	swait.ge [sflag:s29], $0x1  }
0xb4: {  	[sflag:s29] =	ssyncadd.s32 $0xFFFFFFFF  }
0xb5: {  	_ =	strace $0x90000048  }
0xb6: {  	_ =	sfence  }
0xb7: {  	s30 =	sld [smem:$0x0];
	_ =	sdelay $0x2  }
0xb8: {  	s31 =	sshll.u32 s1, $0xD;
	s1 =	sshrl.u32 s1, $0x2  }
0xb9: {  	s3 =	sand.u32 $0x4000, s31;
	s1 =	sadd.s32 s1, s30  }
0xba: {  	s0 =	sor.u32 s3, s0;
	s1 =	sshll.u32 s1, $0x11  }
0xbb: {  	s0 =	sor.u32 s1, s0  }
0xbc: {  	s0 =	sadd.s32 $0x8F2B, s0  }
0xbd: {  	[sflag:s0] =	ssyncadd.remote.s32 $0x1  }
0xbe: {  	_ =	sfence.sel $0xFFFF  }
0xbf: {  	[dreg:$0x0] =	wrdreg $0xFFFFFFFF;
	(pc) =	sbr.abs _section_cstart, $3  }
0xc0: {  	[dreg:$0x1] =	wrdreg $0xFFFFFFFF  }
0xc1: {  	_ =	task.clear_ibuf [dreg:s7], $0x2FFFF;
	_ =	strace $0x9FFFFFFF  }
0xc2: {  	(tm) =	ssettm $0x7FFFFFFF  }
0xc3: {  	_ =	shalt  }
tec
execute0_lowered:
.L_overlay_start_1:
0x0: {  	(tag) =	ssettag $0x1  }
0x1: {  	s2 =	rddreg [dreg:$0x0]  }
0x2: {  	s1 =	srdreg.scid;
	s0 =	stileid.u32  }
0x3: {  	s4 =	rddreg [dreg:$0x1];
	s3 =	simm.s32 $0x0;
	s10 =	simm.s32 $0x2  }
0x4: {  	s11 =	simm.s32 $0x1;
	s12 =	simm.s32 $0x8000;
	s13 =	simm.s32 $0x0  }
0x5: {  	s5 =	sand.u32 $0x1, s1;
	s6 =	sshll.u32 s0, $0x1;
	s1 =	rddreg [dreg:$0x2]  }
0x6: {  	[smem:$0x7FF] =	sst s3;
	s7 =	sshll.u32 s0, $0xF;
	s30 =	sshll.u32 s0, $0x16  }
0x7: {  	s6 =	sor.u32 s5, s6;
	_ =	strace $0x80000047;
	s9 =	ssub.s32 $0x2, s5  }
0x8: {  	s31 =	sshll.u32 s5, $0x15;
	s8 =	sshll.u32 s6, $0x7;
	s6 =	sshll.u32 s6, $0xB  }
0x9: {  	s29 =	sshrl.u32 s9, $0x1;
	s7 =	sor.u32 s8, s7;
	s6 =	sadd.s32 s6, s4  }
0xa: {  	s8 =	ssub.s32 s9, s29;
	s9 =	simm.s32 $0x400;
	s7 =	sand.u32 $0x60380, s7  }
0xb: {  	v0 =	vlaneseq.u32;
	s5 =	sadd.s32 $0x10000, s6;
	s6 =	smax.u32 s8, $0x1;
	s7 =	sshrl.u32 s7, $0x3  }
0xc: {  	v0 =	vmul.u32 $0x80, v0;
	s8 =	simm.s32 $0x80;
	s4 =	sadd.s32 s4, s7;
	s7 =	sor.u32 s31, s30  }
.LBB2_1:
0xd: {  	[tilespmem:s3], [sflag:$0x2] =	stream.strided.gather [hbm4b:s4+s8], $0x4000, s9, s8, $0x38;
	[tilespmem:$0xC000] =	vst v63  }
0xe: {  	_ =	swait.ge [sflag:s10], $0x4000  }
0xf: {  	[sflag:s10] =	ssyncset.done $0x0  }
0x10: {  	s15 =	simm.s32 $0x40;
	[sflag:s10] =	ssyncadd.s32 $0xFFFFC000  }
0x11: {  	v1 =	vld [tilespmem:s15+$0xFFFFFFC0];
	_ =	sdelay $0x3  }
0x12: {  	s16 =	sadd.s32 $0x0, s7  }
0x13: {  	v1 =	vadd.s32 s16, v1  }
0x14: {  	s14 =	simm.s32 $0x4040;
	v1 =	vadd.s32 v0, v1  }
0x15: {  	[tilespmem:s14+$0xFFFFFFC0] =	vst v1  }
0x16: {  	v1 =	vld [tilespmem:s15+$0xFFFFFFD0];
	_ =	sdelay $0x3  }
0x17: {  	s17 =	sadd.s32 $0x800, s16  }
0x18: {  	v1 =	vadd.s32 s17, v1  }
0x19: {  	v1 =	vadd.s32 v0, v1  }
0x1a: {  	[tilespmem:s14+$0xFFFFFFD0] =	vst v1  }
0x1b: {  	v1 =	vld [tilespmem:s15+$0xFFFFFFE0];
	_ =	sdelay $0x3  }
0x1c: {  	s25 =	sadd.s32 $0x1000, s16  }
0x1d: {  	v1 =	vadd.s32 s25, v1  }
0x1e: {  	v1 =	vadd.s32 v0, v1  }
0x1f: {  	[tilespmem:s14+$0xFFFFFFE0] =	vst v1  }
0x20: {  	v1 =	vld [tilespmem:s15+$0xFFFFFFF0];
	_ =	sdelay $0x3  }
0x21: {  	s26 =	sadd.s32 $0x1800, s16  }
0x22: {  	v1 =	vadd.s32 s26, v1  }
0x23: {  	v1 =	vadd.s32 v0, v1  }
0x24: {  	[tilespmem:s14+$0xFFFFFFF0] =	vst v1  }
0x25: {  	v1 =	vld [tilespmem:s15+$0x0];
	_ =	sdelay $0x3  }
0x26: {  	s28 =	sadd.s32 $0x2000, s16  }
0x27: {  	v1 =	vadd.s32 s28, v1  }
0x28: {  	v1 =	vadd.s32 v0, v1  }
0x29: {  	[tilespmem:s14+$0x0] =	vst v1  }
0x2a: {  	v1 =	vld [tilespmem:s15+$0x10];
	_ =	sdelay $0x3  }
0x2b: {  	s29 =	sadd.s32 $0x2800, s16  }
0x2c: {  	v1 =	vadd.s32 s29, v1  }
0x2d: {  	v1 =	vadd.s32 v0, v1  }
0x2e: {  	[tilespmem:s14+$0x10] =	vst v1  }
0x2f: {  	v1 =	vld [tilespmem:s15+$0x20];
	_ =	sdelay $0x3  }
0x30: {  	s30 =	sadd.s32 $0x3000, s16  }
0x31: {  	v1 =	vadd.s32 s30, v1  }
0x32: {  	v1 =	vadd.s32 v0, v1  }
0x33: {  	[tilespmem:s14+$0x20] =	vst v1  }
0x34: {  	v1 =	vld [tilespmem:s15+$0x30];
	_ =	sdelay $0x3  }
0x35: {  	s31 =	sadd.s32 $0x3800, s16  }
0x36: {  	v1 =	vadd.s32 s31, v1  }
0x37: {  	v1 =	vadd.s32 v0, v1  }
0x38: {  	s15 =	simm.s32 $0xC0;
	[tilespmem:s14+$0x30] =	vst v1  }
0x39: {  	s16 =	simm.s32 $0x4000;
	s17 =	simm.s32 $0x8000;
	v1 =	vld [tilespmem:s15+$0xFFFFFFC0]  }
.LBB2_2:
0x3a: {  	p0 =	sne.s32 s17, $0x1FC000;
	_ =	sdelay $0x2  }
0x3b: {  	s18 =	sadd.s32 s16, s7;
	s16 =	smov.u32 s17  }
0x3c: {  	v1 =	vadd.s32 s18, v1  }
0x3d: {  	s14 =	sadd.s32 $0x80, s14;
	v1 =	vadd.s32 v0, v1  }
0x3e: {  	[tilespmem:s14+$0xFFFFFFC0] =	vst v1  }
0x3f: {  	v1 =	vld [tilespmem:s15+$0xFFFFFFD0];
	_ =	sdelay $0x3  }
0x40: {  	s19 =	sadd.s32 $0x800, s18  }
0x41: {  	v1 =	vadd.s32 s19, v1  }
0x42: {  	v1 =	vadd.s32 v0, v1  }
0x43: {  	[tilespmem:s14+$0xFFFFFFD0] =	vst v1  }
0x44: {  	v1 =	vld [tilespmem:s15+$0xFFFFFFE0];
	_ =	sdelay $0x3  }
0x45: {  	s19 =	sadd.s32 $0x1000, s18  }
0x46: {  	v1 =	vadd.s32 s19, v1  }
0x47: {  	v1 =	vadd.s32 v0, v1  }
0x48: {  	[tilespmem:s14+$0xFFFFFFE0] =	vst v1  }
0x49: {  	v1 =	vld [tilespmem:s15+$0xFFFFFFF0];
	_ =	sdelay $0x3  }
0x4a: {  	s19 =	sadd.s32 $0x1800, s18  }
0x4b: {  	v1 =	vadd.s32 s19, v1  }
0x4c: {  	v1 =	vadd.s32 v0, v1  }
0x4d: {  	[tilespmem:s14+$0xFFFFFFF0] =	vst v1  }
0x4e: {  	v1 =	vld [tilespmem:s15+$0x0];
	_ =	sdelay $0x3  }
0x4f: {  	s19 =	sadd.s32 $0x2000, s18  }
0x50: {  	v1 =	vadd.s32 s19, v1  }
0x51: {  	v1 =	vadd.s32 v0, v1  }
0x52: {  	[tilespmem:s14+$0x0] =	vst v1  }
0x53: {  	v1 =	vld [tilespmem:s15+$0x10];
	_ =	sdelay $0x3  }
0x54: {  	s19 =	sadd.s32 $0x2800, s18  }
0x55: {  	v1 =	vadd.s32 s19, v1  }
0x56: {  	v1 =	vadd.s32 v0, v1  }
0x57: {  	[tilespmem:s14+$0x10] =	vst v1  }
0x58: {  	v1 =	vld [tilespmem:s15+$0x20];
	_ =	sdelay $0x3  }
0x59: {  	s19 =	sadd.s32 $0x3000, s18  }
0x5a: {  	v1 =	vadd.s32 s19, v1  }
0x5b: {  	v1 =	vadd.s32 v0, v1  }
0x5c: {  	[tilespmem:s14+$0x20] =	vst v1  }
0x5d: {  	v1 =	vld [tilespmem:s15+$0x30];
	_ =	sdelay $0x3  }
.Ltmp0:
0x5e: {  	s18 =	sadd.s32 $0x3800, s18;
	(pc) =	sbr.rel @p0 .LBB2_2-.Ltmp0, $4  }
0x5f: {  	v1 =	vadd.s32 s18, v1  }
0x60: {  	v1 =	vadd.s32 v0, v1  }
0x61: {  	s15 =	sadd.s32 $0x80, s15;
	[tilespmem:s14+$0x30] =	vst v1  }
0x62: {  	s17 =	sadd.s32 $0x4000, s17;
	v1 =	vld [tilespmem:s15+$0xFFFFFFC0]  }
0x63: {  	_ =	sdelay $0x2  }
0x64: {  	s16 =	sadd.s32 s16, s7  }
0x65: {  	v1 =	vadd.s32 s16, v1  }
0x66: {  	s14 =	sadd.s32 $0x80, s14;
	v1 =	vadd.s32 v0, v1  }
0x67: {  	[tilespmem:s14+$0xFFFFFFC0] =	vst v1  }
0x68: {  	v1 =	vld [tilespmem:s15+$0xFFFFFFD0];
	_ =	sdelay $0x3  }
0x69: {  	s17 =	sadd.s32 $0x800, s16  }
0x6a: {  	v1 =	vadd.s32 s17, v1  }
0x6b: {  	v1 =	vadd.s32 v0, v1  }
0x6c: {  	[tilespmem:s14+$0xFFFFFFD0] =	vst v1  }
0x6d: {  	v1 =	vld [tilespmem:s15+$0xFFFFFFE0];
	_ =	sdelay $0x3  }
0x6e: {  	s25 =	sadd.s32 $0x1000, s16  }
0x6f: {  	v1 =	vadd.s32 s25, v1  }
0x70: {  	v1 =	vadd.s32 v0, v1  }
0x71: {  	[tilespmem:s14+$0xFFFFFFE0] =	vst v1  }
0x72: {  	v1 =	vld [tilespmem:s15+$0xFFFFFFF0];
	_ =	sdelay $0x3  }
0x73: {  	s26 =	sadd.s32 $0x1800, s16  }
0x74: {  	v1 =	vadd.s32 s26, v1  }
0x75: {  	v1 =	vadd.s32 v0, v1  }
0x76: {  	[tilespmem:s14+$0xFFFFFFF0] =	vst v1  }
0x77: {  	v1 =	vld [tilespmem:s15+$0x0];
	_ =	sdelay $0x3  }
0x78: {  	s28 =	sadd.s32 $0x2000, s16  }
0x79: {  	v1 =	vadd.s32 s28, v1  }
0x7a: {  	v1 =	vadd.s32 v0, v1  }
0x7b: {  	[tilespmem:s14+$0x0] =	vst v1  }
0x7c: {  	v1 =	vld [tilespmem:s15+$0x10];
	_ =	sdelay $0x3  }
0x7d: {  	s29 =	sadd.s32 $0x2800, s16  }
0x7e: {  	v1 =	vadd.s32 s29, v1  }
0x7f: {  	v1 =	vadd.s32 v0, v1  }
0x80: {  	[tilespmem:s14+$0x10] =	vst v1  }
0x81: {  	v1 =	vld [tilespmem:s15+$0x20];
	_ =	sdelay $0x3  }
0x82: {  	s30 =	sadd.s32 $0x3000, s16  }
0x83: {  	v1 =	vadd.s32 s30, v1  }
0x84: {  	v1 =	vadd.s32 v0, v1  }
0x85: {  	[tilespmem:s14+$0x20] =	vst v1  }
0x86: {  	v1 =	vld [tilespmem:s15+$0x30];
	_ =	sdelay $0x3  }
0x87: {  	s31 =	sadd.s32 $0x3800, s16  }
0x88: {  	v1 =	vadd.s32 s31, v1  }
0x89: {  	v1 =	vadd.s32 v0, v1  }
0x8a: {  	s16 =	simm.s32 $0x4000;
	s15 =	simm.s32 $0x8000;
	[tilespmem:s14+$0x30] =	vst v1  }
0x8b: {  	[tilespmem:s15], [sflag:$0x1] =	stream.indirect.gather [hbm4b:s2+s8], $0x1, s16, s8, $0xb8;
	[tilespmem:$0xC000] =	vst v63  }
0x8c: {  	s18 =	simm.s32 $0x4080;
	s17 =	simm.s32 $0x8080  }
0x8d: {  	[tilespmem:s17], [sflag:$0x1] =	stream.indirect.gather [hbm4b:s2+s8], $0x1, s18, s8, $0xb8;
	[tilespmem:$0xC000] =	vst v63  }
0x8e: {  	s19 =	simm.s32 $0x8100;
	s20 =	simm.s32 $0x4100  }
0x8f: {  	[tilespmem:s19], [sflag:$0x1] =	stream.indirect.gather [hbm4b:s2+s8], $0x1, s20, s8, $0xb8;
	[tilespmem:$0xC000] =	vst v63  }
0x90: {  	s21 =	simm.s32 $0x8180;
	s22 =	simm.s32 $0x4180  }
0x91: {  	[tilespmem:s21], [sflag:$0x1] =	stream.indirect.gather [hbm4b:s2+s8], $0x1, s22, s8, $0xb8;
	[tilespmem:$0xC000] =	vst v63  }
0x92: {  	s23 =	simm.s32 $0x8200;
	s24 =	simm.s32 $0x4200  }
0x93: {  	[tilespmem:s23], [sflag:$0x1] =	stream.indirect.gather [hbm4b:s2+s8], $0x1, s24, s8, $0xb8;
	[tilespmem:$0xC000] =	vst v63  }
0x94: {  	s25 =	simm.s32 $0x8280;
	s26 =	simm.s32 $0x4280  }
0x95: {  	[tilespmem:s25], [sflag:$0x1] =	stream.indirect.gather [hbm4b:s2+s8], $0x1, s26, s8, $0xb8;
	[tilespmem:$0xC000] =	vst v63  }
0x96: {  	s28 =	simm.s32 $0x8300;
	s29 =	simm.s32 $0x4300  }
0x97: {  	[tilespmem:s28], [sflag:$0x1] =	stream.indirect.gather [hbm4b:s2+s8], $0x1, s29, s8, $0xb8;
	[tilespmem:$0xC000] =	vst v63  }
0x98: {  	s30 =	simm.s32 $0x8380;
	s31 =	simm.s32 $0x4380  }
0x99: {  	[tilespmem:s30], [sflag:$0x1] =	stream.indirect.gather [hbm4b:s2+s8], $0x1, s31, s8, $0xb8;
	[tilespmem:$0xC000] =	vst v63  }
0x9a: {  	_ =	swait.ge [sflag:s11], $0x80  }
0x9b: {  	[sflag:s11] =	ssyncset.done $0x0  }
0x9c: {  	[sflag:s11] =	ssyncadd.s32 $0xFFFFFF80  }
0x9d: {  	_ =	swait.ge [sflag:s11], $0x80  }
0x9e: {  	[sflag:s11] =	ssyncset.done $0x0  }
0x9f: {  	[sflag:s11] =	ssyncadd.s32 $0xFFFFFF80  }
0xa0: {  	_ =	swait.ge [sflag:s11], $0x80  }
0xa1: {  	[sflag:s11] =	ssyncset.done $0x0  }
0xa2: {  	[sflag:s11] =	ssyncadd.s32 $0xFFFFFF80  }
0xa3: {  	_ =	swait.ge [sflag:s11], $0x80  }
0xa4: {  	[sflag:s11] =	ssyncset.done $0x0  }
0xa5: {  	[sflag:s11] =	ssyncadd.s32 $0xFFFFFF80  }
0xa6: {  	_ =	swait.ge [sflag:s11], $0x80  }
0xa7: {  	[sflag:s11] =	ssyncset.done $0x0  }
0xa8: {  	[sflag:s11] =	ssyncadd.s32 $0xFFFFFF80  }
0xa9: {  	_ =	swait.ge [sflag:s11], $0x80  }
0xaa: {  	[sflag:s11] =	ssyncset.done $0x0  }
0xab: {  	[sflag:s11] =	ssyncadd.s32 $0xFFFFFF80  }
0xac: {  	_ =	swait.ge [sflag:s11], $0x80  }
0xad: {  	[sflag:s11] =	ssyncset.done $0x0  }
0xae: {  	[sflag:s11] =	ssyncadd.s32 $0xFFFFFF80  }
0xaf: {  	_ =	swait.ge [sflag:s11], $0x80  }
0xb0: {  	s16 =	simm.s32 $0x400;
	s17 =	simm.s32 $0x2000;
	[sflag:s11] =	ssyncset.done $0x0  }
.LBB2_4:
0xb1: {  	s15 =	sadd.s32 $0x8000, s16  }
0xb2: {  	s18 =	sadd.s32 $0x4000, s16;
	[sflag:s11] =	ssyncadd.s32 $0xFFFFFF80;
	s14 =	smov.u32 s17  }
0xb3: {  	[tilespmem:s15], [sflag:$0x1] =	stream.indirect.gather [hbm4b:s2+s8], $0x1, s18, s8, $0xb8;
	[tilespmem:$0xC000] =	vst v63  }
0xb4: {  	s19 =	sadd.s32 $0x4080, s16;
	s15 =	sadd.s32 $0x1000, s17;
	s18 =	sadd.s32 $0x8080, s16  }
0xb5: {  	[tilespmem:s18], [sflag:$0x1] =	stream.indirect.gather [hbm4b:s2+s8], $0x1, s19, s8, $0xb8;
	[tilespmem:$0xC000] =	vst v63  }
0xb6: {  	p0 =	sne.s32 s17, $0xF000;
	s17 =	sadd.s32 $0x8100, s16;
	s18 =	sadd.s32 $0x4100, s16  }
0xb7: {  	[tilespmem:s17], [sflag:$0x1] =	stream.indirect.gather [hbm4b:s2+s8], $0x1, s18, s8, $0xb8;
	[tilespmem:$0xC000] =	vst v63  }
0xb8: {  	s17 =	sadd.s32 $0x8180, s16;
	s18 =	sadd.s32 $0x4180, s16  }
0xb9: {  	[tilespmem:s17], [sflag:$0x1] =	stream.indirect.gather [hbm4b:s2+s8], $0x1, s18, s8, $0xb8;
	[tilespmem:$0xC000] =	vst v63  }
0xba: {  	s17 =	sadd.s32 $0x8200, s16;
	s18 =	sadd.s32 $0x4200, s16  }
0xbb: {  	[tilespmem:s17], [sflag:$0x1] =	stream.indirect.gather [hbm4b:s2+s8], $0x1, s18, s8, $0xb8;
	[tilespmem:$0xC000] =	vst v63  }
0xbc: {  	s17 =	sadd.s32 $0x8280, s16;
	s18 =	sadd.s32 $0x4280, s16  }
0xbd: {  	[tilespmem:s17], [sflag:$0x1] =	stream.indirect.gather [hbm4b:s2+s8], $0x1, s18, s8, $0xb8;
	[tilespmem:$0xC000] =	vst v63  }
0xbe: {  	s17 =	sadd.s32 $0x8300, s16;
	s18 =	sadd.s32 $0x4300, s16  }
0xbf: {  	[tilespmem:s17], [sflag:$0x1] =	stream.indirect.gather [hbm4b:s2+s8], $0x1, s18, s8, $0xb8;
	[tilespmem:$0xC000] =	vst v63  }
0xc0: {  	s17 =	sadd.s32 $0x8380, s16;
	s16 =	sadd.s32 $0x4380, s16  }
0xc1: {  	[tilespmem:s17], [sflag:$0x1] =	stream.indirect.gather [hbm4b:s2+s8], $0x1, s16, s8, $0xb8;
	[tilespmem:$0xC000] =	vst v63  }
0xc2: {  	_ =	swait.ge [sflag:s11], $0x80  }
0xc3: {  	[sflag:s11] =	ssyncset.done $0x0  }
0xc4: {  	[sflag:s11] =	ssyncadd.s32 $0xFFFFFF80  }
0xc5: {  	_ =	swait.ge [sflag:s11], $0x80  }
0xc6: {  	[sflag:s11] =	ssyncset.done $0x0  }
0xc7: {  	[sflag:s11] =	ssyncadd.s32 $0xFFFFFF80  }
0xc8: {  	_ =	swait.ge [sflag:s11], $0x80  }
0xc9: {  	[sflag:s11] =	ssyncset.done $0x0  }
0xca: {  	[sflag:s11] =	ssyncadd.s32 $0xFFFFFF80  }
0xcb: {  	_ =	swait.ge [sflag:s11], $0x80  }
0xcc: {  	[sflag:s11] =	ssyncset.done $0x0  }
0xcd: {  	[sflag:s11] =	ssyncadd.s32 $0xFFFFFF80  }
0xce: {  	_ =	swait.ge [sflag:s11], $0x80  }
0xcf: {  	[sflag:s11] =	ssyncset.done $0x0  }
0xd0: {  	[sflag:s11] =	ssyncadd.s32 $0xFFFFFF80  }
0xd1: {  	_ =	swait.ge [sflag:s11], $0x80  }
0xd2: {  	[sflag:s11] =	ssyncset.done $0x0  }
0xd3: {  	[sflag:s11] =	ssyncadd.s32 $0xFFFFFF80  }
.Ltmp1:
0xd4: {  	_ =	swait.ge [sflag:s11], $0x80;
	(pc) =	sbr.rel @p0 .LBB2_4-.Ltmp1, $4  }
0xd5: {  	[sflag:s11] =	ssyncset.done $0x0  }
0xd6: {  	[sflag:s11] =	ssyncadd.s32 $0xFFFFFF80  }
0xd7: {  	_ =	swait.ge [sflag:s11], $0x80  }
0xd8: {  	s16 =	sshra.s32 s14, $0x2;
	s17 =	smov.u32 s15;
	[sflag:s11] =	ssyncset.done $0x0  }
0xd9: {  	s14 =	sadd.s32 $0x8000, s16;
	s15 =	sadd.s32 $0x4000, s16;
	[sflag:s11] =	ssyncadd.s32 $0xFFFFFF80  }
0xda: {  	[tilespmem:s14], [sflag:$0x1] =	stream.indirect.gather [hbm4b:s2+s8], $0x1, s15, s8, $0xb8;
	[tilespmem:$0xC000] =	vst v63  }
0xdb: {  	s17 =	sadd.s32 $0x8080, s16;
	s18 =	sadd.s32 $0x4080, s16  }
0xdc: {  	[tilespmem:s17], [sflag:$0x1] =	stream.indirect.gather [hbm4b:s2+s8], $0x1, s18, s8, $0xb8;
	[tilespmem:$0xC000] =	vst v63  }
0xdd: {  	s19 =	sadd.s32 $0x8100, s16;
	s20 =	sadd.s32 $0x4100, s16  }
0xde: {  	[tilespmem:s19], [sflag:$0x1] =	stream.indirect.gather [hbm4b:s2+s8], $0x1, s20, s8, $0xb8;
	[tilespmem:$0xC000] =	vst v63  }
0xdf: {  	s21 =	sadd.s32 $0x8180, s16;
	s22 =	sadd.s32 $0x4180, s16  }
0xe0: {  	[tilespmem:s21], [sflag:$0x1] =	stream.indirect.gather [hbm4b:s2+s8], $0x1, s22, s8, $0xb8;
	[tilespmem:$0xC000] =	vst v63  }
0xe1: {  	s23 =	sadd.s32 $0x8200, s16;
	s24 =	sadd.s32 $0x4200, s16  }
0xe2: {  	[tilespmem:s23], [sflag:$0x1] =	stream.indirect.gather [hbm4b:s2+s8], $0x1, s24, s8, $0xb8;
	[tilespmem:$0xC000] =	vst v63  }
0xe3: {  	s25 =	sadd.s32 $0x8280, s16;
	s26 =	sadd.s32 $0x4280, s16  }
0xe4: {  	[tilespmem:s25], [sflag:$0x1] =	stream.indirect.gather [hbm4b:s2+s8], $0x1, s26, s8, $0xb8;
	[tilespmem:$0xC000] =	vst v63  }
0xe5: {  	s28 =	sadd.s32 $0x8300, s16;
	s29 =	sadd.s32 $0x4300, s16  }
0xe6: {  	[tilespmem:s28], [sflag:$0x1] =	stream.indirect.gather [hbm4b:s2+s8], $0x1, s29, s8, $0xb8;
	[tilespmem:$0xC000] =	vst v63  }
0xe7: {  	s30 =	sadd.s32 $0x8380, s16;
	s31 =	sadd.s32 $0x4380, s16  }
0xe8: {  	[tilespmem:s30], [sflag:$0x1] =	stream.indirect.gather [hbm4b:s2+s8], $0x1, s31, s8, $0xb8;
	[tilespmem:$0xC000] =	vst v63  }
0xe9: {  	_ =	swait.ge [sflag:s11], $0x80  }
0xea: {  	[sflag:s11] =	ssyncset.done $0x0  }
0xeb: {  	[sflag:s11] =	ssyncadd.s32 $0xFFFFFF80  }
0xec: {  	_ =	swait.ge [sflag:s11], $0x80  }
0xed: {  	[sflag:s11] =	ssyncset.done $0x0  }
0xee: {  	[sflag:s11] =	ssyncadd.s32 $0xFFFFFF80  }
0xef: {  	_ =	swait.ge [sflag:s11], $0x80  }
0xf0: {  	[sflag:s11] =	ssyncset.done $0x0  }
0xf1: {  	[sflag:s11] =	ssyncadd.s32 $0xFFFFFF80  }
0xf2: {  	_ =	swait.ge [sflag:s11], $0x80  }
0xf3: {  	[sflag:s11] =	ssyncset.done $0x0  }
0xf4: {  	[sflag:s11] =	ssyncadd.s32 $0xFFFFFF80  }
0xf5: {  	_ =	swait.ge [sflag:s11], $0x80  }
0xf6: {  	[sflag:s11] =	ssyncset.done $0x0  }
0xf7: {  	[sflag:s11] =	ssyncadd.s32 $0xFFFFFF80  }
0xf8: {  	_ =	swait.ge [sflag:s11], $0x80  }
0xf9: {  	[sflag:s11] =	ssyncset.done $0x0  }
0xfa: {  	[sflag:s11] =	ssyncadd.s32 $0xFFFFFF80  }
0xfb: {  	_ =	swait.ge [sflag:s11], $0x80  }
0xfc: {  	[sflag:s11] =	ssyncset.done $0x0  }
0xfd: {  	[sflag:s11] =	ssyncadd.s32 $0xFFFFFF80  }
0xfe: {  	s13 =	sadd.s32 $0x1, s13;
	_ =	swait.ge [sflag:s11], $0x80  }
0xff: {  	p0 =	sne.s32 s13, s6;
	[sflag:s11] =	ssyncset.done $0x0  }
.Ltmp2:
0x100: {  	[sflag:s11] =	ssyncadd.s32 $0xFFFFFF80;
	(pc) =	sbr.rel @p0 .LBB2_1-.Ltmp2, $4  }
0x101: {  	[hbm4b:s5+s3] =	stream.linear.scatter [tilespmem:s12], [sflag:$0x2], $0x4000, $0x38;
	[tilespmem:$0xC000] =	vst v63  }
0x102: {  	_ =	swait.ge [sflag:s10], $0x4000  }
0x103: {  	[sflag:s10] =	ssyncset.done $0x0  }
0x104: {  	[sflag:s10] =	ssyncadd.s32 $0xFFFFC000  }
0x105: {  	_ =	sfence.sel $0x180000  }
0x106: {  	[bflag:$0x0] =	sbarrier.arrive $0xFFFF  }
0x107: {  	p0 =	sne.s32 s0, $0x0;
	_ =	strace $0x90000047  }
0x108: {  	s0 =	sadd.s32 @!p0 $0x100000, s1;
	[bflag:$0x2] =	sbarrier.arrive $0xFFFF  }
0x109: {  	[sflag:s0] =	ssyncadd.tile.s32 @!p0 $0x1;
	_ =	shalt  }
.Lfunc_end2:
_tile_overlayer_lowered:
.L_overlay_start_2:
0x10a: {  	(tag) =	ssettag $0x2  }
0x10b: {  	s0 =	rddreg [dreg:$0x0];
	s2 =	stileid.u32  }
0x10c: {  	s1 =	rddreg [dreg:$0x1];
	p0 =	sne.s32 s2, $0x0  }
0x10d: {  	s3 =	rddreg [dreg:$0x2];
	[bflag:$0x3] =	sbarrier.arrive $0xFFFF;
	s2 =	simm.s32 @!p0 $0x1C02  }
0x10e: {  	[timem:s3], [sflag:s2] =	dma.local @!p0 [hbm:s0], s1  }
0x10f: {  	s0 =	simm.s32 @!p0 $0x2  }
0x110: {  	_ =	swait.ge @!p0 [sflag:s0], s1  }
0x111: {  	s1 =	ssub.s32 @!p0 $0x0, s1;
	[sflag:s0] =	ssyncset.done @!p0 $0x0  }
0x112: {  	[sflag:s0] =	ssyncadd.s32 @!p0 s1  }
0x113: {  	[bflag:$0x3] =	sbarrier.arrive $0xFFFF  }
0x114: {  	_ =	shalt  }

</sc_bundles>
